<compile_context>
chip_gen: v7x
topology: tpu7x:2x2x1
jax: 0.10.2.dev20260603
libtpu: 0.0.44.dev20260713+nightly
codegen_flags: <defaults>
</compile_context>

<pallas_src>
import functools

import jax
import jax.numpy as jnp
from jax import lax
from jax.experimental import pallas as pl
from jax.experimental.pallas import tpu as pltpu
from jax.experimental.pallas import tpu_sc as plsc

BATCH = 16384
EMBED_DIM = 64
NUM_TABLES = 3
NC = 2
NS = 16
NW = NC * NS
B_PER_W = BATCH // NW
CHUNK = 128
N_CHUNKS = B_PER_W // CHUNK

_MESH = plsc.VectorSubcoreMesh(core_axis_name="c", subcore_axis_name="s")


@functools.partial(
    pl.kernel,
    out_type=jax.ShapeDtypeStruct((BATCH, NUM_TABLES * EMBED_DIM), jnp.float32),
    mesh=_MESH,
    scratch_types=[
        pltpu.VMEM((B_PER_W,), jnp.int32),
        pltpu.VMEM((B_PER_W,), jnp.int32),
        pltpu.VMEM((B_PER_W,), jnp.int32),
        pltpu.VMEM((B_PER_W, EMBED_DIM), jnp.float32),
        pltpu.VMEM((B_PER_W, EMBED_DIM), jnp.float32),
        pltpu.VMEM((B_PER_W, EMBED_DIM), jnp.float32),
        pltpu.SemaphoreType.DMA,
    ],
    compiler_params=pltpu.CompilerParams(use_tc_tiling_on_sc=False),
)
def _emb_kernel(iu_hbm, if_hbm, ia_hbm, w_user, w_fans, w_avg, out_hbm,
                idx_u, idx_f, idx_a, rows_u, rows_f, rows_a, sem):
    wid = lax.axis_index("s") * NC + lax.axis_index("c")
    base = wid * B_PER_W
    for src, idx_v in ((iu_hbm, idx_u), (if_hbm, idx_f), (ia_hbm, idx_a)):
        pltpu.sync_copy(src.at[pl.ds(base, B_PER_W)], idx_v)
    copies = []
    for idx_v, table, rows in ((idx_u, w_user, rows_u),
                               (idx_f, w_fans, rows_f),
                               (idx_a, w_avg, rows_a)):
        for c in range(N_CHUNKS):
            copies.append(pltpu.async_copy(
                table.at[idx_v.at[pl.ds(c * CHUNK, CHUNK)]],
                rows.at[pl.ds(c * CHUNK, CHUNK), :],
                sem))
    for cp in copies:
        cp.wait()
    for t, rows in enumerate((rows_u, rows_f, rows_a)):
        pltpu.sync_copy(
            rows,
            out_hbm.at[pl.ds(base, B_PER_W),
                       pl.ds(t * EMBED_DIM, EMBED_DIM)])


def kernel(user_fea, W_user, W_fans, W_avg):
    idx = user_fea.T
    return _emb_kernel(idx[0], idx[1], idx[2], W_user, W_fans, W_avg)

# --- scband reference (transcript-rebuilt; emitter-appended) ---
"""Pipeline reference for scband-user-embedding-yp-23527830848129 (READ-ONLY COPY).

The authoritative reference and input builder live on the scoring server;
editing this copy changes nothing except your own understanding.
"""

import jax, jax.numpy as jnp
import numpy as np

NUM_USER = 100000
NUM_FANS = 100000
NUM_AVGRATING = 100000
EMBED_DIM = 64
BATCH = 16384


def setup_inputs(seed: int = 0) -> dict:
    key = jax.random.key(seed)
    k1, k2, k3, k4 = jax.random.split(key, 4)
    user_fea = jax.random.randint(k1, (BATCH, 3), 0, NUM_USER, dtype=jnp.int32)
    W_user = jax.random.normal(k2, (NUM_USER, EMBED_DIM), dtype=jnp.float32)
    W_fans = jax.random.normal(k3, (NUM_FANS, EMBED_DIM), dtype=jnp.float32)
    W_avg = jax.random.normal(k4, (NUM_AVGRATING, EMBED_DIM), dtype=jnp.float32)
    return {"user_fea": user_fea, "W_user": W_user, "W_fans": W_fans, "W_avg": W_avg}


def reference(user_fea, W_user, W_fans, W_avg):
    userId_idx = user_fea[:, 0]
    fans_idx = user_fea[:, 1]
    avgrating_idx = user_fea[:, 2]
    userId_emb = jnp.take(W_user, userId_idx, axis=0)
    fans_emb = jnp.take(W_fans, fans_idx, axis=0)
    avgrating_emb = jnp.take(W_avg, avgrating_idx, axis=0)
    return jnp.concatenate((userId_emb, fans_emb, avgrating_emb), axis=1)

if __name__ == "__main__":
    import jax
    _d = setup_inputs()
    print(jax.jit(kernel)(*tuple(_d.values())))

</pallas_src>

<mosaic_0001>
#map = affine_map<(d0, d1) -> (0)>
#map1 = affine_map<(d0, d1) -> (0, 0)>
module attributes {stable_mosaic.version = 14 : i64} {
  func.func @_emb_kernel(%arg0: i32, %arg1: i32, %arg2: memref<16384xi32, #tpu.memory_space<hbm>>, %arg3: memref<16384xi32, #tpu.memory_space<hbm>>, %arg4: memref<16384xi32, #tpu.memory_space<hbm>>, %arg5: memref<100000x64xf32, #tpu.memory_space<hbm>>, %arg6: memref<100000x64xf32, #tpu.memory_space<hbm>>, %arg7: memref<100000x64xf32, #tpu.memory_space<hbm>>, %arg8: memref<16384x192xf32, #tpu.memory_space<hbm>>, %arg9: memref<512xi32, #tpu.memory_space<vmem>>, %arg10: memref<512xi32, #tpu.memory_space<vmem>>, %arg11: memref<512xi32, #tpu.memory_space<vmem>>, %arg12: memref<512x64xf32, #tpu.memory_space<vmem>>, %arg13: memref<512x64xf32, #tpu.memory_space<vmem>>, %arg14: memref<512x64xf32, #tpu.memory_space<vmem>>, %arg15: memref<!tpu.dma_semaphore, #tpu.memory_space<semaphore_mem>>) attributes {dimension_semantics = [#tpu.dimension_semantics<core_parallel>, #tpu.dimension_semantics<subcore_parallel>], iteration_bounds = array<i64: 2, 16>, scalar_prefetch = 0 : i64, scratch_operands = 7 : i64, tpu.core_type = #tpu.core_type<sc_vector_subcore>, window_params = [{transform_indices = #map}, {transform_indices = #map}, {transform_indices = #map}, {transform_indices = #map1}, {transform_indices = #map1}, {transform_indices = #map1}, {transform_indices = #map1}]} {
    %mul3A = arith.constant 2 : i32
    %mul3A_0 = arith.muli %arg1, %mul3A : i32
    %add3A = arith.addi %mul3A_0, %arg0 : i32
    %mul3A_1 = arith.constant 512 : i32
    %mul3A_2 = arith.muli %add3A, %mul3A_1 : i32
    "tpu.region"() ({
      %run_scoped3A = tpu.sem_alloc : memref<!tpu.dma_semaphore, #tpu.memory_space<semaphore_mem>>
      %dma_start3A_193 = tpu.memref_slice %arg2[%mul3A_2] : memref<16384xi32, #tpu.memory_space<hbm>> -> memref<512xi32, #tpu.memory_space<hbm>>
      %dma_start3A_194 = tpu.memref_slice %arg2[%mul3A_2] : memref<16384xi32, #tpu.memory_space<hbm>> -> memref<512xi32, #tpu.memory_space<hbm>>
      tpu.enqueue_dma source(%dma_start3A_194 : memref<512xi32, #tpu.memory_space<hbm>>) target(%arg9 : memref<512xi32, #tpu.memory_space<vmem>>) target_semaphore(%run_scoped3A : memref<!tpu.dma_semaphore, #tpu.memory_space<semaphore_mem>>)
      %dma_wait3A_195 = tpu.memref_slice %arg2[%mul3A_2] : memref<16384xi32, #tpu.memory_space<hbm>> -> memref<512xi32, #tpu.memory_space<hbm>>
      %dma_wait3A_196 = tpu.memref_slice %arg2[%mul3A_2] : memref<16384xi32, #tpu.memory_space<hbm>> -> memref<512xi32, #tpu.memory_space<hbm>>
      tpu.wait_dma2 semaphore(%run_scoped3A : memref<!tpu.dma_semaphore, #tpu.memory_space<semaphore_mem>>) src(%dma_wait3A_196 : memref<512xi32, #tpu.memory_space<hbm>>) dst(%arg9 : memref<512xi32, #tpu.memory_space<vmem>>)
      tpu.yield
    }) : () -> ()
    "tpu.region"() ({
      %run_scoped3A = tpu.sem_alloc : memref<!tpu.dma_semaphore, #tpu.memory_space<semaphore_mem>>
      %dma_start3A_193 = tpu.memref_slice %arg3[%mul3A_2] : memref<16384xi32, #tpu.memory_space<hbm>> -> memref<512xi32, #tpu.memory_space<hbm>>
      %dma_start3A_194 = tpu.memref_slice %arg3[%mul3A_2] : memref<16384xi32, #tpu.memory_space<hbm>> -> memref<512xi32, #tpu.memory_space<hbm>>
      tpu.enqueue_dma source(%dma_start3A_194 : memref<512xi32, #tpu.memory_space<hbm>>) target(%arg10 : memref<512xi32, #tpu.memory_space<vmem>>) target_semaphore(%run_scoped3A : memref<!tpu.dma_semaphore, #tpu.memory_space<semaphore_mem>>)
      %dma_wait3A_195 = tpu.memref_slice %arg3[%mul3A_2] : memref<16384xi32, #tpu.memory_space<hbm>> -> memref<512xi32, #tpu.memory_space<hbm>>
      %dma_wait3A_196 = tpu.memref_slice %arg3[%mul3A_2] : memref<16384xi32, #tpu.memory_space<hbm>> -> memref<512xi32, #tpu.memory_space<hbm>>
      tpu.wait_dma2 semaphore(%run_scoped3A : memref<!tpu.dma_semaphore, #tpu.memory_space<semaphore_mem>>) src(%dma_wait3A_196 : memref<512xi32, #tpu.memory_space<hbm>>) dst(%arg10 : memref<512xi32, #tpu.memory_space<vmem>>)
      tpu.yield
    }) : () -> ()
    "tpu.region"() ({
      %run_scoped3A = tpu.sem_alloc : memref<!tpu.dma_semaphore, #tpu.memory_space<semaphore_mem>>
      %dma_start3A_193 = tpu.memref_slice %arg4[%mul3A_2] : memref<16384xi32, #tpu.memory_space<hbm>> -> memref<512xi32, #tpu.memory_space<hbm>>
      %dma_start3A_194 = tpu.memref_slice %arg4[%mul3A_2] : memref<16384xi32, #tpu.memory_space<hbm>> -> memref<512xi32, #tpu.memory_space<hbm>>
      tpu.enqueue_dma source(%dma_start3A_194 : memref<512xi32, #tpu.memory_space<hbm>>) target(%arg11 : memref<512xi32, #tpu.memory_space<vmem>>) target_semaphore(%run_scoped3A : memref<!tpu.dma_semaphore, #tpu.memory_space<semaphore_mem>>)
      %dma_wait3A_195 = tpu.memref_slice %arg4[%mul3A_2] : memref<16384xi32, #tpu.memory_space<hbm>> -> memref<512xi32, #tpu.memory_space<hbm>>
      %dma_wait3A_196 = tpu.memref_slice %arg4[%mul3A_2] : memref<16384xi32, #tpu.memory_space<hbm>> -> memref<512xi32, #tpu.memory_space<hbm>>
      tpu.wait_dma2 semaphore(%run_scoped3A : memref<!tpu.dma_semaphore, #tpu.memory_space<semaphore_mem>>) src(%dma_wait3A_196 : memref<512xi32, #tpu.memory_space<hbm>>) dst(%arg11 : memref<512xi32, #tpu.memory_space<vmem>>)
      tpu.yield
    }) : () -> ()
    %dma_start3A = arith.constant 0 : i32
    %dma_start3A_3 = arith.constant 0 : i32
    %dma_start3A_4 = tpu.memref_slice %arg12[%dma_start3A, %dma_start3A_3] : memref<512x64xf32, #tpu.memory_space<vmem>> -> memref<128x64xf32, #tpu.memory_space<vmem>>
    %dma_start3A_5 = arith.constant 0 : i32
    %dma_start3A_6 = tpu.memref_slice %arg9[%dma_start3A_5] : memref<512xi32, #tpu.memory_space<vmem>> -> memref<128xi32, #tpu.memory_space<vmem>>
    %dma_start3A_7 = arith.constant 0 : i32
    %dma_start3A_8 = arith.constant 0 : i32
    %dma_start3A_9 = tpu.memref_slice %arg5[%dma_start3A_7, %dma_start3A_8] : memref<100000x64xf32, #tpu.memory_space<hbm>> -> memref<100000x64xf32, #tpu.memory_space<hbm>>
    tpu.enqueue_indirect_dma source(%dma_start3A_9 : memref<100000x64xf32, #tpu.memory_space<hbm>>) target(%dma_start3A_4 : memref<128x64xf32, #tpu.memory_space<vmem>>) offsets(%dma_start3A_6 : memref<128xi32, #tpu.memory_space<vmem>>) semaphore(%arg15 : memref<!tpu.dma_semaphore, #tpu.memory_space<semaphore_mem>>)
    %dma_start3A_10 = arith.constant 128 : i32
    %dma_start3A_11 = arith.constant 0 : i32
    %dma_start3A_12 = tpu.memref_slice %arg12[%dma_start3A_10, %dma_start3A_11] : memref<512x64xf32, #tpu.memory_space<vmem>> -> memref<128x64xf32, #tpu.memory_space<vmem>>
    %dma_start3A_13 = arith.constant 128 : i32
    %dma_start3A_14 = tpu.memref_slice %arg9[%dma_start3A_13] : memref<512xi32, #tpu.memory_space<vmem>> -> memref<128xi32, #tpu.memory_space<vmem>>
    %dma_start3A_15 = arith.constant 0 : i32
    %dma_start3A_16 = arith.constant 0 : i32
    %dma_start3A_17 = tpu.memref_slice %arg5[%dma_start3A_15, %dma_start3A_16] : memref<100000x64xf32, #tpu.memory_space<hbm>> -> memref<100000x64xf32, #tpu.memory_space<hbm>>
    tpu.enqueue_indirect_dma source(%dma_start3A_17 : memref<100000x64xf32, #tpu.memory_space<hbm>>) target(%dma_start3A_12 : memref<128x64xf32, #tpu.memory_space<vmem>>) offsets(%dma_start3A_14 : memref<128xi32, #tpu.memory_space<vmem>>) semaphore(%arg15 : memref<!tpu.dma_semaphore, #tpu.memory_space<semaphore_mem>>)
    %dma_start3A_18 = arith.constant 256 : i32
    %dma_start3A_19 = arith.constant 0 : i32
    %dma_start3A_20 = tpu.memref_slice %arg12[%dma_start3A_18, %dma_start3A_19] : memref<512x64xf32, #tpu.memory_space<vmem>> -> memref<128x64xf32, #tpu.memory_space<vmem>>
    %dma_start3A_21 = arith.constant 256 : i32
    %dma_start3A_22 = tpu.memref_slice %arg9[%dma_start3A_21] : memref<512xi32, #tpu.memory_space<vmem>> -> memref<128xi32, #tpu.memory_space<vmem>>
    %dma_start3A_23 = arith.constant 0 : i32
    %dma_start3A_24 = arith.constant 0 : i32
    %dma_start3A_25 = tpu.memref_slice %arg5[%dma_start3A_23, %dma_start3A_24] : memref<100000x64xf32, #tpu.memory_space<hbm>> -> memref<100000x64xf32, #tpu.memory_space<hbm>>
    tpu.enqueue_indirect_dma source(%dma_start3A_25 : memref<100000x64xf32, #tpu.memory_space<hbm>>) target(%dma_start3A_20 : memref<128x64xf32, #tpu.memory_space<vmem>>) offsets(%dma_start3A_22 : memref<128xi32, #tpu.memory_space<vmem>>) semaphore(%arg15 : memref<!tpu.dma_semaphore, #tpu.memory_space<semaphore_mem>>)
    %dma_start3A_26 = arith.constant 384 : i32
    %dma_start3A_27 = arith.constant 0 : i32
    %dma_start3A_28 = tpu.memref_slice %arg12[%dma_start3A_26, %dma_start3A_27] : memref<512x64xf32, #tpu.memory_space<vmem>> -> memref<128x64xf32, #tpu.memory_space<vmem>>
    %dma_start3A_29 = arith.constant 384 : i32
    %dma_start3A_30 = tpu.memref_slice %arg9[%dma_start3A_29] : memref<512xi32, #tpu.memory_space<vmem>> -> memref<128xi32, #tpu.memory_space<vmem>>
    %dma_start3A_31 = arith.constant 0 : i32
    %dma_start3A_32 = arith.constant 0 : i32
    %dma_start3A_33 = tpu.memref_slice %arg5[%dma_start3A_31, %dma_start3A_32] : memref<100000x64xf32, #tpu.memory_space<hbm>> -> memref<100000x64xf32, #tpu.memory_space<hbm>>
    tpu.enqueue_indirect_dma source(%dma_start3A_33 : memref<100000x64xf32, #tpu.memory_space<hbm>>) target(%dma_start3A_28 : memref<128x64xf32, #tpu.memory_space<vmem>>) offsets(%dma_start3A_30 : memref<128xi32, #tpu.memory_space<vmem>>) semaphore(%arg15 : memref<!tpu.dma_semaphore, #tpu.memory_space<semaphore_mem>>)
    %dma_start3A_34 = arith.constant 0 : i32
    %dma_start3A_35 = arith.constant 0 : i32
    %dma_start3A_36 = tpu.memref_slice %arg13[%dma_start3A_34, %dma_start3A_35] : memref<512x64xf32, #tpu.memory_space<vmem>> -> memref<128x64xf32, #tpu.memory_space<vmem>>
    %dma_start3A_37 = arith.constant 0 : i32
    %dma_start3A_38 = tpu.memref_slice %arg10[%dma_start3A_37] : memref<512xi32, #tpu.memory_space<vmem>> -> memref<128xi32, #tpu.memory_space<vmem>>
    %dma_start3A_39 = arith.constant 0 : i32
    %dma_start3A_40 = arith.constant 0 : i32
    %dma_start3A_41 = tpu.memref_slice %arg6[%dma_start3A_39, %dma_start3A_40] : memref<100000x64xf32, #tpu.memory_space<hbm>> -> memref<100000x64xf32, #tpu.memory_space<hbm>>
    tpu.enqueue_indirect_dma source(%dma_start3A_41 : memref<100000x64xf32, #tpu.memory_space<hbm>>) target(%dma_start3A_36 : memref<128x64xf32, #tpu.memory_space<vmem>>) offsets(%dma_start3A_38 : memref<128xi32, #tpu.memory_space<vmem>>) semaphore(%arg15 : memref<!tpu.dma_semaphore, #tpu.memory_space<semaphore_mem>>)
    %dma_start3A_42 = arith.constant 128 : i32
    %dma_start3A_43 = arith.constant 0 : i32
    %dma_start3A_44 = tpu.memref_slice %arg13[%dma_start3A_42, %dma_start3A_43] : memref<512x64xf32, #tpu.memory_space<vmem>> -> memref<128x64xf32, #tpu.memory_space<vmem>>
    %dma_start3A_45 = arith.constant 128 : i32
    %dma_start3A_46 = tpu.memref_slice %arg10[%dma_start3A_45] : memref<512xi32, #tpu.memory_space<vmem>> -> memref<128xi32, #tpu.memory_space<vmem>>
    %dma_start3A_47 = arith.constant 0 : i32
    %dma_start3A_48 = arith.constant 0 : i32
    %dma_start3A_49 = tpu.memref_slice %arg6[%dma_start3A_47, %dma_start3A_48] : memref<100000x64xf32, #tpu.memory_space<hbm>> -> memref<100000x64xf32, #tpu.memory_space<hbm>>
    tpu.enqueue_indirect_dma source(%dma_start3A_49 : memref<100000x64xf32, #tpu.memory_space<hbm>>) target(%dma_start3A_44 : memref<128x64xf32, #tpu.memory_space<vmem>>) offsets(%dma_start3A_46 : memref<128xi32, #tpu.memory_space<vmem>>) semaphore(%arg15 : memref<!tpu.dma_semaphore, #tpu.memory_space<semaphore_mem>>)
    %dma_start3A_50 = arith.constant 256 : i32
    %dma_start3A_51 = arith.constant 0 : i32
    %dma_start3A_52 = tpu.memref_slice %arg13[%dma_start3A_50, %dma_start3A_51] : memref<512x64xf32, #tpu.memory_space<vmem>> -> memref<128x64xf32, #tpu.memory_space<vmem>>
    %dma_start3A_53 = arith.constant 256 : i32
    %dma_start3A_54 = tpu.memref_slice %arg10[%dma_start3A_53] : memref<512xi32, #tpu.memory_space<vmem>> -> memref<128xi32, #tpu.memory_space<vmem>>
    %dma_start3A_55 = arith.constant 0 : i32
    %dma_start3A_56 = arith.constant 0 : i32
    %dma_start3A_57 = tpu.memref_slice %arg6[%dma_start3A_55, %dma_start3A_56] : memref<100000x64xf32, #tpu.memory_space<hbm>> -> memref<100000x64xf32, #tpu.memory_space<hbm>>
    tpu.enqueue_indirect_dma source(%dma_start3A_57 : memref<100000x64xf32, #tpu.memory_space<hbm>>) target(%dma_start3A_52 : memref<128x64xf32, #tpu.memory_space<vmem>>) offsets(%dma_start3A_54 : memref<128xi32, #tpu.memory_space<vmem>>) semaphore(%arg15 : memref<!tpu.dma_semaphore, #tpu.memory_space<semaphore_mem>>)
    %dma_start3A_58 = arith.constant 384 : i32
    %dma_start3A_59 = arith.constant 0 : i32
    %dma_start3A_60 = tpu.memref_slice %arg13[%dma_start3A_58, %dma_start3A_59] : memref<512x64xf32, #tpu.memory_space<vmem>> -> memref<128x64xf32, #tpu.memory_space<vmem>>
    %dma_start3A_61 = arith.constant 384 : i32
    %dma_start3A_62 = tpu.memref_slice %arg10[%dma_start3A_61] : memref<512xi32, #tpu.memory_space<vmem>> -> memref<128xi32, #tpu.memory_space<vmem>>
    %dma_start3A_63 = arith.constant 0 : i32
    %dma_start3A_64 = arith.constant 0 : i32
    %dma_start3A_65 = tpu.memref_slice %arg6[%dma_start3A_63, %dma_start3A_64] : memref<100000x64xf32, #tpu.memory_space<hbm>> -> memref<100000x64xf32, #tpu.memory_space<hbm>>
    tpu.enqueue_indirect_dma source(%dma_start3A_65 : memref<100000x64xf32, #tpu.memory_space<hbm>>) target(%dma_start3A_60 : memref<128x64xf32, #tpu.memory_space<vmem>>) offsets(%dma_start3A_62 : memref<128xi32, #tpu.memory_space<vmem>>) semaphore(%arg15 : memref<!tpu.dma_semaphore, #tpu.memory_space<semaphore_mem>>)
    %dma_start3A_66 = arith.constant 0 : i32
    %dma_start3A_67 = arith.constant 0 : i32
    %dma_start3A_68 = tpu.memref_slice %arg14[%dma_start3A_66, %dma_start3A_67] : memref<512x64xf32, #tpu.memory_space<vmem>> -> memref<128x64xf32, #tpu.memory_space<vmem>>
    %dma_start3A_69 = arith.constant 0 : i32
    %dma_start3A_70 = tpu.memref_slice %arg11[%dma_start3A_69] : memref<512xi32, #tpu.memory_space<vmem>> -> memref<128xi32, #tpu.memory_space<vmem>>
    %dma_start3A_71 = arith.constant 0 : i32
    %dma_start3A_72 = arith.constant 0 : i32
    %dma_start3A_73 = tpu.memref_slice %arg7[%dma_start3A_71, %dma_start3A_72] : memref<100000x64xf32, #tpu.memory_space<hbm>> -> memref<100000x64xf32, #tpu.memory_space<hbm>>
    tpu.enqueue_indirect_dma source(%dma_start3A_73 : memref<100000x64xf32, #tpu.memory_space<hbm>>) target(%dma_start3A_68 : memref<128x64xf32, #tpu.memory_space<vmem>>) offsets(%dma_start3A_70 : memref<128xi32, #tpu.memory_space<vmem>>) semaphore(%arg15 : memref<!tpu.dma_semaphore, #tpu.memory_space<semaphore_mem>>)
    %dma_start3A_74 = arith.constant 128 : i32
    %dma_start3A_75 = arith.constant 0 : i32
    %dma_start3A_76 = tpu.memref_slice %arg14[%dma_start3A_74, %dma_start3A_75] : memref<512x64xf32, #tpu.memory_space<vmem>> -> memref<128x64xf32, #tpu.memory_space<vmem>>
    %dma_start3A_77 = arith.constant 128 : i32
    %dma_start3A_78 = tpu.memref_slice %arg11[%dma_start3A_77] : memref<512xi32, #tpu.memory_space<vmem>> -> memref<128xi32, #tpu.memory_space<vmem>>
    %dma_start3A_79 = arith.constant 0 : i32
    %dma_start3A_80 = arith.constant 0 : i32
    %dma_start3A_81 = tpu.memref_slice %arg7[%dma_start3A_79, %dma_start3A_80] : memref<100000x64xf32, #tpu.memory_space<hbm>> -> memref<100000x64xf32, #tpu.memory_space<hbm>>
    tpu.enqueue_indirect_dma source(%dma_start3A_81 : memref<100000x64xf32, #tpu.memory_space<hbm>>) target(%dma_start3A_76 : memref<128x64xf32, #tpu.memory_space<vmem>>) offsets(%dma_start3A_78 : memref<128xi32, #tpu.memory_space<vmem>>) semaphore(%arg15 : memref<!tpu.dma_semaphore, #tpu.memory_space<semaphore_mem>>)
    %dma_start3A_82 = arith.constant 256 : i32
    %dma_start3A_83 = arith.constant 0 : i32
    %dma_start3A_84 = tpu.memref_slice %arg14[%dma_start3A_82, %dma_start3A_83] : memref<512x64xf32, #tpu.memory_space<vmem>> -> memref<128x64xf32, #tpu.memory_space<vmem>>
    %dma_start3A_85 = arith.constant 256 : i32
    %dma_start3A_86 = tpu.memref_slice %arg11[%dma_start3A_85] : memref<512xi32, #tpu.memory_space<vmem>> -> memref<128xi32, #tpu.memory_space<vmem>>
    %dma_start3A_87 = arith.constant 0 : i32
    %dma_start3A_88 = arith.constant 0 : i32
    %dma_start3A_89 = tpu.memref_slice %arg7[%dma_start3A_87, %dma_start3A_88] : memref<100000x64xf32, #tpu.memory_space<hbm>> -> memref<100000x64xf32, #tpu.memory_space<hbm>>
    tpu.enqueue_indirect_dma source(%dma_start3A_89 : memref<100000x64xf32, #tpu.memory_space<hbm>>) target(%dma_start3A_84 : memref<128x64xf32, #tpu.memory_space<vmem>>) offsets(%dma_start3A_86 : memref<128xi32, #tpu.memory_space<vmem>>) semaphore(%arg15 : memref<!tpu.dma_semaphore, #tpu.memory_space<semaphore_mem>>)
    %dma_start3A_90 = arith.constant 384 : i32
    %dma_start3A_91 = arith.constant 0 : i32
    %dma_start3A_92 = tpu.memref_slice %arg14[%dma_start3A_90, %dma_start3A_91] : memref<512x64xf32, #tpu.memory_space<vmem>> -> memref<128x64xf32, #tpu.memory_space<vmem>>
    %dma_start3A_93 = arith.constant 384 : i32
    %dma_start3A_94 = tpu.memref_slice %arg11[%dma_start3A_93] : memref<512xi32, #tpu.memory_space<vmem>> -> memref<128xi32, #tpu.memory_space<vmem>>
    %dma_start3A_95 = arith.constant 0 : i32
    %dma_start3A_96 = arith.constant 0 : i32
    %dma_start3A_97 = tpu.memref_slice %arg7[%dma_start3A_95, %dma_start3A_96] : memref<100000x64xf32, #tpu.memory_space<hbm>> -> memref<100000x64xf32, #tpu.memory_space<hbm>>
    tpu.enqueue_indirect_dma source(%dma_start3A_97 : memref<100000x64xf32, #tpu.memory_space<hbm>>) target(%dma_start3A_92 : memref<128x64xf32, #tpu.memory_space<vmem>>) offsets(%dma_start3A_94 : memref<128xi32, #tpu.memory_space<vmem>>) semaphore(%arg15 : memref<!tpu.dma_semaphore, #tpu.memory_space<semaphore_mem>>)
    %dma_wait3A = arith.constant 0 : i32
    %dma_wait3A_98 = arith.constant 0 : i32
    %dma_wait3A_99 = tpu.memref_slice %arg12[%dma_wait3A, %dma_wait3A_98] : memref<512x64xf32, #tpu.memory_space<vmem>> -> memref<128x64xf32, #tpu.memory_space<vmem>>
    %dma_wait3A_100 = arith.constant 0 : i32
    %dma_wait3A_101 = tpu.memref_slice %arg9[%dma_wait3A_100] : memref<512xi32, #tpu.memory_space<vmem>> -> memref<128xi32, #tpu.memory_space<vmem>>
    %dma_wait3A_102 = arith.constant 0 : i32
    %dma_wait3A_103 = arith.constant 0 : i32
    %dma_wait3A_104 = tpu.memref_slice %arg5[%dma_wait3A_102, %dma_wait3A_103] : memref<100000x64xf32, #tpu.memory_space<hbm>> -> memref<100000x64xf32, #tpu.memory_space<hbm>>
    tpu.wait_indirect_dma semaphore(%arg15 : memref<!tpu.dma_semaphore, #tpu.memory_space<semaphore_mem>>) src(%dma_wait3A_104 : memref<100000x64xf32, #tpu.memory_space<hbm>>) dst(%dma_wait3A_99 : memref<128x64xf32, #tpu.memory_space<vmem>>)
    %dma_wait3A_105 = arith.constant 128 : i32
    %dma_wait3A_106 = arith.constant 0 : i32
    %dma_wait3A_107 = tpu.memref_slice %arg12[%dma_wait3A_105, %dma_wait3A_106] : memref<512x64xf32, #tpu.memory_space<vmem>> -> memref<128x64xf32, #tpu.memory_space<vmem>>
    %dma_wait3A_108 = arith.constant 128 : i32
    %dma_wait3A_109 = tpu.memref_slice %arg9[%dma_wait3A_108] : memref<512xi32, #tpu.memory_space<vmem>> -> memref<128xi32, #tpu.memory_space<vmem>>
    %dma_wait3A_110 = arith.constant 0 : i32
    %dma_wait3A_111 = arith.constant 0 : i32
    %dma_wait3A_112 = tpu.memref_slice %arg5[%dma_wait3A_110, %dma_wait3A_111] : memref<100000x64xf32, #tpu.memory_space<hbm>> -> memref<100000x64xf32, #tpu.memory_space<hbm>>
    tpu.wait_indirect_dma semaphore(%arg15 : memref<!tpu.dma_semaphore, #tpu.memory_space<semaphore_mem>>) src(%dma_wait3A_112 : memref<100000x64xf32, #tpu.memory_space<hbm>>) dst(%dma_wait3A_107 : memref<128x64xf32, #tpu.memory_space<vmem>>)
    %dma_wait3A_113 = arith.constant 256 : i32
    %dma_wait3A_114 = arith.constant 0 : i32
    %dma_wait3A_115 = tpu.memref_slice %arg12[%dma_wait3A_113, %dma_wait3A_114] : memref<512x64xf32, #tpu.memory_space<vmem>> -> memref<128x64xf32, #tpu.memory_space<vmem>>
    %dma_wait3A_116 = arith.constant 256 : i32
    %dma_wait3A_117 = tpu.memref_slice %arg9[%dma_wait3A_116] : memref<512xi32, #tpu.memory_space<vmem>> -> memref<128xi32, #tpu.memory_space<vmem>>
    %dma_wait3A_118 = arith.constant 0 : i32
    %dma_wait3A_119 = arith.constant 0 : i32
    %dma_wait3A_120 = tpu.memref_slice %arg5[%dma_wait3A_118, %dma_wait3A_119] : memref<100000x64xf32, #tpu.memory_space<hbm>> -> memref<100000x64xf32, #tpu.memory_space<hbm>>
    tpu.wait_indirect_dma semaphore(%arg15 : memref<!tpu.dma_semaphore, #tpu.memory_space<semaphore_mem>>) src(%dma_wait3A_120 : memref<100000x64xf32, #tpu.memory_space<hbm>>) dst(%dma_wait3A_115 : memref<128x64xf32, #tpu.memory_space<vmem>>)
    %dma_wait3A_121 = arith.constant 384 : i32
    %dma_wait3A_122 = arith.constant 0 : i32
    %dma_wait3A_123 = tpu.memref_slice %arg12[%dma_wait3A_121, %dma_wait3A_122] : memref<512x64xf32, #tpu.memory_space<vmem>> -> memref<128x64xf32, #tpu.memory_space<vmem>>
    %dma_wait3A_124 = arith.constant 384 : i32
    %dma_wait3A_125 = tpu.memref_slice %arg9[%dma_wait3A_124] : memref<512xi32, #tpu.memory_space<vmem>> -> memref<128xi32, #tpu.memory_space<vmem>>
    %dma_wait3A_126 = arith.constant 0 : i32
    %dma_wait3A_127 = arith.constant 0 : i32
    %dma_wait3A_128 = tpu.memref_slice %arg5[%dma_wait3A_126, %dma_wait3A_127] : memref<100000x64xf32, #tpu.memory_space<hbm>> -> memref<100000x64xf32, #tpu.memory_space<hbm>>
    tpu.wait_indirect_dma semaphore(%arg15 : memref<!tpu.dma_semaphore, #tpu.memory_space<semaphore_mem>>) src(%dma_wait3A_128 : memref<100000x64xf32, #tpu.memory_space<hbm>>) dst(%dma_wait3A_123 : memref<128x64xf32, #tpu.memory_space<vmem>>)
    %dma_wait3A_129 = arith.constant 0 : i32
    %dma_wait3A_130 = arith.constant 0 : i32
    %dma_wait3A_131 = tpu.memref_slice %arg13[%dma_wait3A_129, %dma_wait3A_130] : memref<512x64xf32, #tpu.memory_space<vmem>> -> memref<128x64xf32, #tpu.memory_space<vmem>>
    %dma_wait3A_132 = arith.constant 0 : i32
    %dma_wait3A_133 = tpu.memref_slice %arg10[%dma_wait3A_132] : memref<512xi32, #tpu.memory_space<vmem>> -> memref<128xi32, #tpu.memory_space<vmem>>
    %dma_wait3A_134 = arith.constant 0 : i32
    %dma_wait3A_135 = arith.constant 0 : i32
    %dma_wait3A_136 = tpu.memref_slice %arg6[%dma_wait3A_134, %dma_wait3A_135] : memref<100000x64xf32, #tpu.memory_space<hbm>> -> memref<100000x64xf32, #tpu.memory_space<hbm>>
    tpu.wait_indirect_dma semaphore(%arg15 : memref<!tpu.dma_semaphore, #tpu.memory_space<semaphore_mem>>) src(%dma_wait3A_136 : memref<100000x64xf32, #tpu.memory_space<hbm>>) dst(%dma_wait3A_131 : memref<128x64xf32, #tpu.memory_space<vmem>>)
    %dma_wait3A_137 = arith.constant 128 : i32
    %dma_wait3A_138 = arith.constant 0 : i32
    %dma_wait3A_139 = tpu.memref_slice %arg13[%dma_wait3A_137, %dma_wait3A_138] : memref<512x64xf32, #tpu.memory_space<vmem>> -> memref<128x64xf32, #tpu.memory_space<vmem>>
    %dma_wait3A_140 = arith.constant 128 : i32
    %dma_wait3A_141 = tpu.memref_slice %arg10[%dma_wait3A_140] : memref<512xi32, #tpu.memory_space<vmem>> -> memref<128xi32, #tpu.memory_space<vmem>>
    %dma_wait3A_142 = arith.constant 0 : i32
    %dma_wait3A_143 = arith.constant 0 : i32
    %dma_wait3A_144 = tpu.memref_slice %arg6[%dma_wait3A_142, %dma_wait3A_143] : memref<100000x64xf32, #tpu.memory_space<hbm>> -> memref<100000x64xf32, #tpu.memory_space<hbm>>
    tpu.wait_indirect_dma semaphore(%arg15 : memref<!tpu.dma_semaphore, #tpu.memory_space<semaphore_mem>>) src(%dma_wait3A_144 : memref<100000x64xf32, #tpu.memory_space<hbm>>) dst(%dma_wait3A_139 : memref<128x64xf32, #tpu.memory_space<vmem>>)
    %dma_wait3A_145 = arith.constant 256 : i32
    %dma_wait3A_146 = arith.constant 0 : i32
    %dma_wait3A_147 = tpu.memref_slice %arg13[%dma_wait3A_145, %dma_wait3A_146] : memref<512x64xf32, #tpu.memory_space<vmem>> -> memref<128x64xf32, #tpu.memory_space<vmem>>
    %dma_wait3A_148 = arith.constant 256 : i32
    %dma_wait3A_149 = tpu.memref_slice %arg10[%dma_wait3A_148] : memref<512xi32, #tpu.memory_space<vmem>> -> memref<128xi32, #tpu.memory_space<vmem>>
    %dma_wait3A_150 = arith.constant 0 : i32
    %dma_wait3A_151 = arith.constant 0 : i32
    %dma_wait3A_152 = tpu.memref_slice %arg6[%dma_wait3A_150, %dma_wait3A_151] : memref<100000x64xf32, #tpu.memory_space<hbm>> -> memref<100000x64xf32, #tpu.memory_space<hbm>>
    tpu.wait_indirect_dma semaphore(%arg15 : memref<!tpu.dma_semaphore, #tpu.memory_space<semaphore_mem>>) src(%dma_wait3A_152 : memref<100000x64xf32, #tpu.memory_space<hbm>>) dst(%dma_wait3A_147 : memref<128x64xf32, #tpu.memory_space<vmem>>)
    %dma_wait3A_153 = arith.constant 384 : i32
    %dma_wait3A_154 = arith.constant 0 : i32
    %dma_wait3A_155 = tpu.memref_slice %arg13[%dma_wait3A_153, %dma_wait3A_154] : memref<512x64xf32, #tpu.memory_space<vmem>> -> memref<128x64xf32, #tpu.memory_space<vmem>>
    %dma_wait3A_156 = arith.constant 384 : i32
    %dma_wait3A_157 = tpu.memref_slice %arg10[%dma_wait3A_156] : memref<512xi32, #tpu.memory_space<vmem>> -> memref<128xi32, #tpu.memory_space<vmem>>
    %dma_wait3A_158 = arith.constant 0 : i32
    %dma_wait3A_159 = arith.constant 0 : i32
    %dma_wait3A_160 = tpu.memref_slice %arg6[%dma_wait3A_158, %dma_wait3A_159] : memref<100000x64xf32, #tpu.memory_space<hbm>> -> memref<100000x64xf32, #tpu.memory_space<hbm>>
    tpu.wait_indirect_dma semaphore(%arg15 : memref<!tpu.dma_semaphore, #tpu.memory_space<semaphore_mem>>) src(%dma_wait3A_160 : memref<100000x64xf32, #tpu.memory_space<hbm>>) dst(%dma_wait3A_155 : memref<128x64xf32, #tpu.memory_space<vmem>>)
    %dma_wait3A_161 = arith.constant 0 : i32
    %dma_wait3A_162 = arith.constant 0 : i32
    %dma_wait3A_163 = tpu.memref_slice %arg14[%dma_wait3A_161, %dma_wait3A_162] : memref<512x64xf32, #tpu.memory_space<vmem>> -> memref<128x64xf32, #tpu.memory_space<vmem>>
    %dma_wait3A_164 = arith.constant 0 : i32
    %dma_wait3A_165 = tpu.memref_slice %arg11[%dma_wait3A_164] : memref<512xi32, #tpu.memory_space<vmem>> -> memref<128xi32, #tpu.memory_space<vmem>>
    %dma_wait3A_166 = arith.constant 0 : i32
    %dma_wait3A_167 = arith.constant 0 : i32
    %dma_wait3A_168 = tpu.memref_slice %arg7[%dma_wait3A_166, %dma_wait3A_167] : memref<100000x64xf32, #tpu.memory_space<hbm>> -> memref<100000x64xf32, #tpu.memory_space<hbm>>
    tpu.wait_indirect_dma semaphore(%arg15 : memref<!tpu.dma_semaphore, #tpu.memory_space<semaphore_mem>>) src(%dma_wait3A_168 : memref<100000x64xf32, #tpu.memory_space<hbm>>) dst(%dma_wait3A_163 : memref<128x64xf32, #tpu.memory_space<vmem>>)
    %dma_wait3A_169 = arith.constant 128 : i32
    %dma_wait3A_170 = arith.constant 0 : i32
    %dma_wait3A_171 = tpu.memref_slice %arg14[%dma_wait3A_169, %dma_wait3A_170] : memref<512x64xf32, #tpu.memory_space<vmem>> -> memref<128x64xf32, #tpu.memory_space<vmem>>
    %dma_wait3A_172 = arith.constant 128 : i32
    %dma_wait3A_173 = tpu.memref_slice %arg11[%dma_wait3A_172] : memref<512xi32, #tpu.memory_space<vmem>> -> memref<128xi32, #tpu.memory_space<vmem>>
    %dma_wait3A_174 = arith.constant 0 : i32
    %dma_wait3A_175 = arith.constant 0 : i32
    %dma_wait3A_176 = tpu.memref_slice %arg7[%dma_wait3A_174, %dma_wait3A_175] : memref<100000x64xf32, #tpu.memory_space<hbm>> -> memref<100000x64xf32, #tpu.memory_space<hbm>>
    tpu.wait_indirect_dma semaphore(%arg15 : memref<!tpu.dma_semaphore, #tpu.memory_space<semaphore_mem>>) src(%dma_wait3A_176 : memref<100000x64xf32, #tpu.memory_space<hbm>>) dst(%dma_wait3A_171 : memref<128x64xf32, #tpu.memory_space<vmem>>)
    %dma_wait3A_177 = arith.constant 256 : i32
    %dma_wait3A_178 = arith.constant 0 : i32
    %dma_wait3A_179 = tpu.memref_slice %arg14[%dma_wait3A_177, %dma_wait3A_178] : memref<512x64xf32, #tpu.memory_space<vmem>> -> memref<128x64xf32, #tpu.memory_space<vmem>>
    %dma_wait3A_180 = arith.constant 256 : i32
    %dma_wait3A_181 = tpu.memref_slice %arg11[%dma_wait3A_180] : memref<512xi32, #tpu.memory_space<vmem>> -> memref<128xi32, #tpu.memory_space<vmem>>
    %dma_wait3A_182 = arith.constant 0 : i32
    %dma_wait3A_183 = arith.constant 0 : i32
    %dma_wait3A_184 = tpu.memref_slice %arg7[%dma_wait3A_182, %dma_wait3A_183] : memref<100000x64xf32, #tpu.memory_space<hbm>> -> memref<100000x64xf32, #tpu.memory_space<hbm>>
    tpu.wait_indirect_dma semaphore(%arg15 : memref<!tpu.dma_semaphore, #tpu.memory_space<semaphore_mem>>) src(%dma_wait3A_184 : memref<100000x64xf32, #tpu.memory_space<hbm>>) dst(%dma_wait3A_179 : memref<128x64xf32, #tpu.memory_space<vmem>>)
    %dma_wait3A_185 = arith.constant 384 : i32
    %dma_wait3A_186 = arith.constant 0 : i32
    %dma_wait3A_187 = tpu.memref_slice %arg14[%dma_wait3A_185, %dma_wait3A_186] : memref<512x64xf32, #tpu.memory_space<vmem>> -> memref<128x64xf32, #tpu.memory_space<vmem>>
    %dma_wait3A_188 = arith.constant 384 : i32
    %dma_wait3A_189 = tpu.memref_slice %arg11[%dma_wait3A_188] : memref<512xi32, #tpu.memory_space<vmem>> -> memref<128xi32, #tpu.memory_space<vmem>>
    %dma_wait3A_190 = arith.constant 0 : i32
    %dma_wait3A_191 = arith.constant 0 : i32
    %dma_wait3A_192 = tpu.memref_slice %arg7[%dma_wait3A_190, %dma_wait3A_191] : memref<100000x64xf32, #tpu.memory_space<hbm>> -> memref<100000x64xf32, #tpu.memory_space<hbm>>
    tpu.wait_indirect_dma semaphore(%arg15 : memref<!tpu.dma_semaphore, #tpu.memory_space<semaphore_mem>>) src(%dma_wait3A_192 : memref<100000x64xf32, #tpu.memory_space<hbm>>) dst(%dma_wait3A_187 : memref<128x64xf32, #tpu.memory_space<vmem>>)
    "tpu.region"() ({
      %run_scoped3A = tpu.sem_alloc : memref<!tpu.dma_semaphore, #tpu.memory_space<semaphore_mem>>
      %dma_start3A_193 = arith.constant 0 : i32
      %dma_start3A_194 = tpu.memref_slice %arg8[%mul3A_2, %dma_start3A_193] : memref<16384x192xf32, #tpu.memory_space<hbm>> -> memref<512x64xf32, #tpu.memory_space<hbm>>
      %dma_start3A_195 = arith.constant 0 : i32
      %dma_start3A_196 = tpu.memref_slice %arg8[%mul3A_2, %dma_start3A_195] : memref<16384x192xf32, #tpu.memory_space<hbm>> -> memref<512x64xf32, #tpu.memory_space<hbm>>
      tpu.enqueue_dma source(%arg12 : memref<512x64xf32, #tpu.memory_space<vmem>>) target(%dma_start3A_196 : memref<512x64xf32, #tpu.memory_space<hbm>>) target_semaphore(%run_scoped3A : memref<!tpu.dma_semaphore, #tpu.memory_space<semaphore_mem>>)
      %dma_wait3A_197 = arith.constant 0 : i32
      %dma_wait3A_198 = tpu.memref_slice %arg8[%mul3A_2, %dma_wait3A_197] : memref<16384x192xf32, #tpu.memory_space<hbm>> -> memref<512x64xf32, #tpu.memory_space<hbm>>
      %dma_wait3A_199 = arith.constant 0 : i32
      %dma_wait3A_200 = tpu.memref_slice %arg8[%mul3A_2, %dma_wait3A_199] : memref<16384x192xf32, #tpu.memory_space<hbm>> -> memref<512x64xf32, #tpu.memory_space<hbm>>
      tpu.wait_dma2 semaphore(%run_scoped3A : memref<!tpu.dma_semaphore, #tpu.memory_space<semaphore_mem>>) src(%arg12 : memref<512x64xf32, #tpu.memory_space<vmem>>) dst(%dma_wait3A_200 : memref<512x64xf32, #tpu.memory_space<hbm>>)
      tpu.yield
    }) : () -> ()
    "tpu.region"() ({
      %run_scoped3A = tpu.sem_alloc : memref<!tpu.dma_semaphore, #tpu.memory_space<semaphore_mem>>
      %dma_start3A_193 = arith.constant 64 : i32
      %dma_start3A_194 = tpu.memref_slice %arg8[%mul3A_2, %dma_start3A_193] : memref<16384x192xf32, #tpu.memory_space<hbm>> -> memref<512x64xf32, #tpu.memory_space<hbm>>
      %dma_start3A_195 = arith.constant 64 : i32
      %dma_start3A_196 = tpu.memref_slice %arg8[%mul3A_2, %dma_start3A_195] : memref<16384x192xf32, #tpu.memory_space<hbm>> -> memref<512x64xf32, #tpu.memory_space<hbm>>
      tpu.enqueue_dma source(%arg13 : memref<512x64xf32, #tpu.memory_space<vmem>>) target(%dma_start3A_196 : memref<512x64xf32, #tpu.memory_space<hbm>>) target_semaphore(%run_scoped3A : memref<!tpu.dma_semaphore, #tpu.memory_space<semaphore_mem>>)
      %dma_wait3A_197 = arith.constant 64 : i32
      %dma_wait3A_198 = tpu.memref_slice %arg8[%mul3A_2, %dma_wait3A_197] : memref<16384x192xf32, #tpu.memory_space<hbm>> -> memref<512x64xf32, #tpu.memory_space<hbm>>
      %dma_wait3A_199 = arith.constant 64 : i32
      %dma_wait3A_200 = tpu.memref_slice %arg8[%mul3A_2, %dma_wait3A_199] : memref<16384x192xf32, #tpu.memory_space<hbm>> -> memref<512x64xf32, #tpu.memory_space<hbm>>
      tpu.wait_dma2 semaphore(%run_scoped3A : memref<!tpu.dma_semaphore, #tpu.memory_space<semaphore_mem>>) src(%arg13 : memref<512x64xf32, #tpu.memory_space<vmem>>) dst(%dma_wait3A_200 : memref<512x64xf32, #tpu.memory_space<hbm>>)
      tpu.yield
    }) : () -> ()
    "tpu.region"() ({
      %run_scoped3A = tpu.sem_alloc : memref<!tpu.dma_semaphore, #tpu.memory_space<semaphore_mem>>
      %dma_start3A_193 = arith.constant 128 : i32
      %dma_start3A_194 = tpu.memref_slice %arg8[%mul3A_2, %dma_start3A_193] : memref<16384x192xf32, #tpu.memory_space<hbm>> -> memref<512x64xf32, #tpu.memory_space<hbm>>
      %dma_start3A_195 = arith.constant 128 : i32
      %dma_start3A_196 = tpu.memref_slice %arg8[%mul3A_2, %dma_start3A_195] : memref<16384x192xf32, #tpu.memory_space<hbm>> -> memref<512x64xf32, #tpu.memory_space<hbm>>
      tpu.enqueue_dma source(%arg14 : memref<512x64xf32, #tpu.memory_space<vmem>>) target(%dma_start3A_196 : memref<512x64xf32, #tpu.memory_space<hbm>>) target_semaphore(%run_scoped3A : memref<!tpu.dma_semaphore, #tpu.memory_space<semaphore_mem>>)
      %dma_wait3A_197 = arith.constant 128 : i32
      %dma_wait3A_198 = tpu.memref_slice %arg8[%mul3A_2, %dma_wait3A_197] : memref<16384x192xf32, #tpu.memory_space<hbm>> -> memref<512x64xf32, #tpu.memory_space<hbm>>
      %dma_wait3A_199 = arith.constant 128 : i32
      %dma_wait3A_200 = tpu.memref_slice %arg8[%mul3A_2, %dma_wait3A_199] : memref<16384x192xf32, #tpu.memory_space<hbm>> -> memref<512x64xf32, #tpu.memory_space<hbm>>
      tpu.wait_dma2 semaphore(%run_scoped3A : memref<!tpu.dma_semaphore, #tpu.memory_space<semaphore_mem>>) src(%arg14 : memref<512x64xf32, #tpu.memory_space<vmem>>) dst(%dma_wait3A_200 : memref<512x64xf32, #tpu.memory_space<hbm>>)
      tpu.yield
    }) : () -> ()
    return
  }
}

</mosaic_0001>

<sc_bundles>
// kernel: kernel.3.cloned.1.call-start
scs
__scs_entry_jumppad:
0x0: {  	(pc) =	sbr.rel $0x88, $3  }
0x1: {  	(tag) =	ssettag $0x0;
	lr =	simm.s32 $0x1  }
0x2: {  	[smem:$0x3F9D] =	sst lr;
	_ =	strace $0xD0000000  }
0x3: {  	_ = 	snop  }
0x4: {  	_ = 	snop  }
0x5: {  	_ = 	snop  }
0x6: {  	_ = 	snop  }
0x7: {  	_ = 	snop  }
__scs_overlays_trampoline_lowered:
0x8: {  	[smem:$0x3FAC] =	sst s0  }
0x9: {  	[smem:$0x3FAD] =	sst s1  }
0xa: {  	[smem:$0x3FAE] =	sst s2  }
0xb: {  	[smem:$0x3FAF] =	sst s3  }
0xc: {  	[smem:$0x3FB0] =	sst s4  }
0xd: {  	[smem:$0x3FB1] =	sst s5  }
0xe: {  	[smem:$0x3FB2] =	sst s6  }
0xf: {  	[smem:$0x3FB3] =	sst s7  }
0x10: {  	[smem:$0x3FB4] =	sst s8  }
0x11: {  	[smem:$0x3FB5] =	sst s9;
	s0 =	simm.s32 @!p0 $0x0  }
0x12: {  	s1 =	sld [smem:$0x3F9B];
	s0 =	simm.s32 @p0 $0x1  }
0x13: {  	[smem:$0x3FB6] =	sst s0;
	s0 =	simm.s32 @!p1 $0x0  }
0x14: {  	s2 =	sld [smem:$0x3F9A];
	s0 =	simm.s32 @p1 $0x1  }
0x15: {  	[smem:$0x3FB7] =	sst s0;
	s0 =	simm.s32 @!p2 $0x0  }
0x16: {  	s3 =	sld [smem:$0x3FDB];
	s0 =	simm.s32 @p2 $0x1  }
0x17: {  	s4 =	simm.s32 $0x1BF5;
	[smem:$0x3FB9] =	sst s0  }
0x18: {  	s0 =	sld [smem:$0x3F9C];
	_ =	swait.ge [sflag:s4], $0x0  }
0x19: {  	s7 =	sld [smem:$0x3F9D]  }
0x1a: {  	s8 =	sadd.s32 $0xFFFFE003, lr  }
0x1b: {  	s9 =	sadd.s32 $0xFFFFFEF7, lr;
	s5 =	simm.s32 $0xFFFFFFFF;
	p2 =	slt.u32 s8, $0xFFFFF086  }
0x1c: {  	p1 =	slt.u32 s9, $0xF7A;
	s5 =	simm.s32 @!p2 $0x0  }
0x1d: {  	s5 =	simm.s32 @p1 $0x1;
	p0 =	seq.s32 s7, s2  }
0x1e: {  	s7 =	smul.u32 @!p0 $0xF7A, s2;
	p2 =	seq.s32 @!p0 s5, $0x0  }
0x1f: {  	s9 =	smul.u32 $0xF7A, s1;
	s8 =	simm.s32 @!p0 $0x1BF5;
	p2 =	por !p2, p0  }
0x20: {  	[sflag:s8] =	ssyncset.s32 @!p0 $0xFFFFF086;
	s6 =	sadd.s32 @!p0 s3, s7;
	s7 =	simm.s32 @!p0 $0x108  }
0x21: {  	s3 =	sadd.s32 s3, s9;
	s6 =	sadd.s32 @!p0 $0x88, s6;
	s7 =	simm.s32 @p2 $0x1082  }
0x22: {  	[simem:s7], [sflag:s8] =	dma.local @!p0 [hbm:s6], $0xF7A  }
0x23: {  	s9 =	sor.u32 $0xD0000000, s2;
	s6 =	simm.s32 $0x108;
	_ =	swait.ge @!p0 [sflag:s8], $0x0  }
0x24: {  	s3 =	sadd.s32 $0x88, s3;
	s6 =	simm.s32 @!p1 $0x1082;
	[sflag:s4] =	ssyncset.s32 $0xFFFFF086  }
0x25: {  	[simem:s6], [sflag:s4] =	dma.local [hbm:s3], $0xF7A  }
0x26: {  	[smem:$0x3F9D] =	sst s1;
	(tag) =	ssettag s2;
	_ =	strace s9  }
0x27: {  	s1 =	sld [smem:$0x3FAD]  }
0x28: {  	s2 =	sld [smem:$0x3FAE]  }
0x29: {  	s4 =	sld [smem:$0x3FB0]  }
0x2a: {  	p0 =	seq.s32 s5, $0x0;
	s5 =	sld [smem:$0x3FB1]  }
0x2b: {  	s6 =	sld [smem:$0x3FB2]  }
0x2c: {  	s7 =	sld [smem:$0x3FB3]  }
0x2d: {  	s3 =	simm.s32 $0x108;
	s8 =	sld [smem:$0x3FB4]  }
0x2e: {  	s3 =	simm.s32 @!p0 $0x1082;
	s9 =	sld [smem:$0x3FB5]  }
0x2f: {  	lr =	sadd.s32 s0, s3;
	s0 =	sld [smem:$0x3FAC]  }
0x30: {  	s3 =	sld [smem:$0x3FAF]  }
0x31: {  	[smem:$0x3FB8] =	sst s10  }
0x32: {  	s10 =	sld [smem:$0x3FB6];
	_ =	sdelay $0x3  }
0x33: {  	p0 =	seq.s32 s10, $0x1;
	s10 =	sld [smem:$0x3FB8];
	_ =	sdelay $0x3  }
0x34: {  	[smem:$0x3FB8] =	sst s10  }
0x35: {  	s10 =	sld [smem:$0x3FB7];
	_ =	sdelay $0x3  }
0x36: {  	p1 =	seq.s32 s10, $0x1;
	s10 =	sld [smem:$0x3FB8];
	_ =	sdelay $0x3  }
0x37: {  	[smem:$0x3FB8] =	sst s10  }
0x38: {  	s10 =	sld [smem:$0x3FB9]  }
0x39: {  	_ = 	snop;
	(pc) =	sbr.ind lr, $3  }
0x3a: {  	_ = 	snop  }
0x3b: {  	_ = 	snop  }
0x3c: {  	p2 =	seq.s32 s10, $0x1;
	s10 =	sld [smem:$0x3FB8]  }
0x3d: {  	_ =	shalt  }
0x3e: {  	_ =	shalt  }
0x3f: {  	_ =	shalt  }
0x40: {  	_ =	shalt  }
0x41: {  	_ =	shalt  }
0x42: {  	_ =	shalt  }
0x43: {  	_ =	shalt  }
0x44: {  	_ =	shalt  }
0x45: {  	_ =	shalt  }
0x46: {  	_ =	shalt  }
0x47: {  	_ =	shalt  }
0x48: {  	_ =	shalt  }
0x49: {  	_ =	shalt  }
0x4a: {  	_ =	shalt  }
0x4b: {  	_ =	shalt  }
0x4c: {  	_ =	shalt  }
0x4d: {  	_ =	shalt  }
0x4e: {  	_ =	shalt  }
0x4f: {  	_ =	shalt  }
0x50: {  	_ =	shalt  }
0x51: {  	_ =	shalt  }
0x52: {  	_ =	shalt  }
0x53: {  	_ =	shalt  }
0x54: {  	_ =	shalt  }
0x55: {  	_ =	shalt  }
0x56: {  	_ =	shalt  }
0x57: {  	_ =	shalt  }
0x58: {  	_ =	shalt  }
0x59: {  	_ =	shalt  }
0x5a: {  	_ =	shalt  }
0x5b: {  	_ =	shalt  }
0x5c: {  	_ =	shalt  }
0x5d: {  	_ =	shalt  }
0x5e: {  	_ =	shalt  }
0x5f: {  	_ =	shalt  }
0x60: {  	_ =	shalt  }
0x61: {  	_ =	shalt  }
0x62: {  	_ =	shalt  }
0x63: {  	_ =	shalt  }
0x64: {  	_ =	shalt  }
0x65: {  	_ =	shalt  }
0x66: {  	_ =	shalt  }
0x67: {  	_ =	shalt  }
0x68: {  	_ =	shalt  }
0x69: {  	_ =	shalt  }
0x6a: {  	_ =	shalt  }
0x6b: {  	_ =	shalt  }
0x6c: {  	_ =	shalt  }
0x6d: {  	_ =	shalt  }
0x6e: {  	_ =	shalt  }
0x6f: {  	_ =	shalt  }
0x70: {  	_ =	shalt  }
0x71: {  	_ =	shalt  }
0x72: {  	_ =	shalt  }
0x73: {  	_ =	shalt  }
0x74: {  	_ =	shalt  }
0x75: {  	_ =	shalt  }
0x76: {  	_ =	shalt  }
0x77: {  	_ =	shalt  }
0x78: {  	_ =	shalt  }
0x79: {  	_ =	shalt  }
0x7a: {  	_ =	shalt  }
0x7b: {  	_ =	shalt  }
0x7c: {  	_ =	shalt  }
0x7d: {  	_ =	shalt  }
0x7e: {  	_ =	shalt  }
0x7f: {  	_ =	shalt  }
0x80: {  	_ =	shalt  }
0x81: {  	_ =	shalt  }
0x82: {  	_ =	shalt  }
0x83: {  	_ =	shalt  }
0x84: {  	_ =	shalt  }
0x85: {  	_ =	shalt  }
0x86: {  	_ =	shalt  }
0x87: {  	_ =	shalt  }
.Lfunc_end0:
.L_simem_size_0:
called_computation_lowered:
.L_overlay_start_0:
0x88: {  	s2 =	sld [smem:$0x3FD9]  }
0x89: {  	s3 =	sld [smem:$0x3FFE];
	_ =	sdelay $0x1  }
0x8a: {  	s1 =	srdreg.scid  }
0x8b: {  	s0 =	sand.u32 $0x1, s1  }
0x8c: {  	s17 =	sshll.u32 s0, $0xA;
	s2 =	sadd.s32 s3, s2  }
0x8d: {  	s2 =	sadd.s32 s2, s17  }
0x8e: {  	[smem:$0x3FC4] =	sst s2  }
0x8f: {  	_ = 	snop  }
0x90: {  	s2 =	sld [smem:$0x3FD0];
	(tm) =	ssettm $0x1  }
0x91: {  	s18 =	sld [smem:$0x3FFB];
	_ =	sdelay $0x3  }
0x92: {  	_ =	strace s18  }
0x93: {  	s3 =	sld [smem:$0x3FFC];
	_ =	sdelay $0x3  }
0x94: {  	_ =	strace s3  }
0x95: {  	s3 =	sld [smem:$0x3FFD];
	_ =	sdelay $0x3  }
0x96: {  	_ =	strace s3  }
0x97: {  	_ =	strace $0x8FFFFFFF  }
0x98: {  	s19 =	sld [smem:$0x3FDB];
	_ =	sdelay $0x1  }
0x99: {  	s4 =	simm.s32 $_scs_section_size  }
0x9a: {  	s5 =	simm.s32 $_size__tile_overlayer_lowered;
	s6 =	simm.s32 $_tile_overlayer_lowered  }
0x9b: {  	s22 =	simm.s32 $0x1BFF;
	s21 =	sshll.u32 s6, $0x1;
	s3 =	sadd.s32 s4, s19  }
0x9c: {  	s7 =	simm.s32 $0x0;
	s20 =	sshll.u32 s5, $0x1;
	s5 =	sadd.s32 s21, s3  }
0x9d: {  	[timem:s7], [sflag:s22] =	dma.local [hbm:s5], s20  }
0x9e: {  	_ =	swait.ge [sflag:s22], s20  }
0x9f: {  	s4 =	ssub.s32 $0x0, s20;
	[sflag:s22] =	ssyncset.done $0x0  }
0xa0: {  	[sflag:s22] =	ssyncadd.s32 s4;
	_ =	sdelay $0x1  }
0xa1: {  	s23 =	simm.s32 $0x1B8B  }
0xa2: {  	_ =	swait.ge [sflag:s23], $0x1  }
0xa3: {  	[sflag:s23] =	ssyncset.done $0x0  }
0xa4: {  	s25 =	simm.s32 $0x1B8E;
	s24 =	sld [smem:$0x3FFE];
	[sflag:s23] =	ssyncadd.s32 $0xFFFFFFFF  }
0xa5: {  	s26 =	simm.s32 $execute0_lowered;
	[smem:$0x3FD2] =	sst s25  }
0xa6: {  	s5 =	sshll.u32 s26, $0x1;
	_ =	strace $0x80000046;
	[dreg:$0x1] =	wrdreg $0xFFFFFFFF  }
0xa7: {  	s28 =	simm.s32 $_size_execute0_lowered;
	s3 =	sadd.s32 s3, s5;
	[dreg:$0x0] =	wrdreg $0x0  }
0xa8: {  	s5 =	sshll.u32 s28, $0x1;
	[dreg:$0x2] =	wrdreg s3  }
0xa9: {  	[dreg:$0x3] =	wrdreg s5  }
0xaa: {  	[dreg:$0x4] =	wrdreg $0xC0  }
0xab: {  	_ =	task [dreg:s7], $0x5FFFF  }
0xac: {  	[dreg:$0x1] =	wrdreg $0xFFFFFFFF  }
0xad: {  	[dreg:$0x0] =	wrdreg $0x60  }
0xae: {  	[dreg:$0x2] =	wrdreg s24  }
0xaf: {  	[dreg:$0x3] =	wrdreg s2  }
0xb0: {  	[dreg:$0x4] =	wrdreg $0x9  }
0xb1: {  	_ =	task.clear_ibuf [dreg:s7], $0x5FFFF;
	_ =	strace $0x90000046  }
0xb2: {  	s29 =	simm.s32 $0x9;
	_ =	strace $0x80000048  }
0xb3: {  	_ =	swait.ge [sflag:s29], $0x1  }
0xb4: {  	[sflag:s29] =	ssyncadd.s32 $0xFFFFFFFF  }
0xb5: {  	_ =	strace $0x90000048  }
0xb6: {  	_ =	sfence  }
0xb7: {  	s30 =	sld [smem:$0x0];
	_ =	sdelay $0x2  }
0xb8: {  	s31 =	sshll.u32 s1, $0xD;
	s1 =	sshrl.u32 s1, $0x2  }
0xb9: {  	s3 =	sand.u32 $0x4000, s31;
	s1 =	sadd.s32 s1, s30  }
0xba: {  	s0 =	sor.u32 s3, s0;
	s1 =	sshll.u32 s1, $0x11  }
0xbb: {  	s0 =	sor.u32 s1, s0  }
0xbc: {  	s0 =	sadd.s32 $0x8F2B, s0  }
0xbd: {  	[sflag:s0] =	ssyncadd.remote.s32 $0x1  }
0xbe: {  	_ =	sfence.sel $0xFFFF  }
0xbf: {  	[dreg:$0x0] =	wrdreg $0xFFFFFFFF;
	(pc) =	sbr.abs _section_cstart, $3  }
0xc0: {  	[dreg:$0x1] =	wrdreg $0xFFFFFFFF  }
0xc1: {  	_ =	task.clear_ibuf [dreg:s7], $0x2FFFF;
	_ =	strace $0x9FFFFFFF  }
0xc2: {  	(tm) =	ssettm $0x7FFFFFFF  }
0xc3: {  	_ =	shalt  }
tec
execute0_lowered:
.L_overlay_start_1:
0x0: {  	(tag) =	ssettag $0x1  }
0x1: {  	s0 =	rddreg [dreg:$0x0]  }
0x2: {  	s1 =	rddreg [dreg:$0x1]  }
0x3: {  	s2 =	srdreg.scid;
	s17 =	stileid.u32;
	s11 =	simm.s32 $0x0  }
0x4: {  	s24 =	simm.s32 $0x2600;
	s25 =	simm.s32 $0x100;
	s26 =	simm.s32 $0x4600  }
0x5: {  	s5 =	simm.s32 $0x8600;
	s21 =	simm.s32 $0x280;
	s22 =	simm.s32 $0xA600  }
0x6: {  	s23 =	simm.s32 $0x300;
	s6 =	simm.s32 $0x10600;
	s28 =	simm.s32 $0x480  }
0x7: {  	s29 =	simm.s32 $0x12600;
	s30 =	simm.s32 $0x500;
	p0 =	por $0x0, $0x0  }
0x8: {  	s31 =	simm.s32 $0x14600;
	s8 =	simm.s32 $0x40;
	s9 =	simm.s32 $0xC0  }
0x9: {  	s2 =	sand.u32 $0x1, s2;
	s3 =	sshll.u32 s17, $0xA;
	s12 =	sadd.s32 $0x18A400, s0  }
0xa: {  	[smem:$0x7FF] =	sst s11;
	s10 =	sadd.s32 $0x24DA00, s0;
	s7 =	sadd.s32 $0x311000, s0  }
0xb: {  	s4 =	sshll.u32 s2, $0x9;
	_ =	strace $0x80000047;
	[dreg:$0x8] =	wrdreg s24  }
0xc: {  	s2 =	ssub.s32 $0x2, s2;
	[dreg:$0x9] =	wrdreg s25;
	s3 =	sor.u32 s4, s3  }
0xd: {  	[dreg:$0xa] =	wrdreg s26;
	s24 =	simm.s32 $0xC600;
	s4 =	sshrl.u32 s3, $0x3  }
0xe: {  	s25 =	simm.s32 $0x380;
	s3 =	smul.u32 $0x18, s3;
	s4 =	sadd.s32 s4, s0  }
0xf: {  	s26 =	simm.s32 $0xE600;
	s16 =	sshrl.u32 s2, $0x1;
	s13 =	sadd.s32 $0x3200, s4  }
0x10: {  	s14 =	sadd.s32 $0x2A00, s4;
	s3 =	sadd.s32 s1, s3;
	s1 =	ssub.s32 s2, s16  }
0x11: {  	s15 =	sadd.s32 $0x2200, s4;
	s2 =	simm.s32 $0x2;
	s20 =	smax.u32 s1, $0x1  }
0x12: {  	s16 =	simm.s32 $0x200;
	[dreg:$0x3] =	wrdreg s13;
	p1 =	sne.s32 s20, $0x1  }
.Ltmp0:
0x13: {  	s4 =	simm.s32 $0x600;
	[dreg:$0x4] =	wrdreg s14;
	(pc) =	sbr.rel @!p1 .LBB2_1-.Ltmp0, $4  }
0x14: {  	[dreg:$0x5] =	wrdreg s15;
	s18 =	sadd.s32 $0x8, s3;
	s19 =	sadd.s32 $0x10, s3  }
0x15: {  	s15 =	simm.s32 $0x400;
	s14 =	simm.s32 $0x80;
	[dreg:$0x6] =	wrdreg s18  }
0x16: {  	s13 =	simm.s32 $0x1;
	[dreg:$0x7] =	wrdreg s19;
	s0 =	sadd.s32 $0xFFFFFFFF, s20  }
0x17: {  	s19 =	simm.s32 $0x580;
	s18 =	simm.s32 $0x16600;
	s1 =	rddreg [dreg:$0x3]  }
0x18: {  	[tilespmem:s11], [sflag:$0x2] =	stream.linear.gather [hbm4b:s1+s11], $0x200, $0x38;
	[tilespmem:$0x18600] =	vst v63  }
0x19: {  	_ =	swait.ge [sflag:s2], $0x200  }
0x1a: {  	[sflag:s2] =	ssyncset.done $0x0  }
0x1b: {  	s17 =	rddreg [dreg:$0x4];
	[sflag:s2] =	ssyncadd.s32 $0xFFFFFE00  }
0x1c: {  	[tilespmem:s16], [sflag:$0x2] =	stream.linear.gather [hbm4b:s17+s11], $0x200, $0x38;
	[tilespmem:$0x18600] =	vst v63  }
0x1d: {  	_ =	swait.ge [sflag:s2], $0x200  }
0x1e: {  	[sflag:s2] =	ssyncset.done $0x0  }
0x1f: {  	s20 =	rddreg [dreg:$0x5];
	[sflag:s2] =	ssyncadd.s32 $0xFFFFFE00  }
0x20: {  	[tilespmem:s15], [sflag:$0x2] =	stream.linear.gather [hbm4b:s20+s11], $0x200, $0x38;
	[tilespmem:$0x18600] =	vst v63  }
0x21: {  	_ =	swait.ge [sflag:s2], $0x200  }
0x22: {  	[sflag:s2] =	ssyncset.done $0x0  }
0x23: {  	s20 =	rddreg [dreg:$0xa];
	[sflag:s2] =	ssyncadd.s32 $0xFFFFFE00  }
0x24: {  	[tilespmem:s4], [sflag:$0x1] =	stream.indirect.gather [hbm4b:s12+s14], $0x40, s11, s14, $0xb8;
	[tilespmem:$0x18600] =	vst v63  }
0x25: {  	s1 =	rddreg [dreg:$0x8]  }
0x26: {  	[tilespmem:s1], [sflag:$0x1] =	stream.indirect.gather [hbm4b:s12+s14], $0x40, s14, s14, $0xb8;
	[tilespmem:$0x18600] =	vst v63  }
0x27: {  	s17 =	smov.u32 s0;
	s0 =	rddreg [dreg:$0x9]  }
0x28: {  	[tilespmem:s20], [sflag:$0x1] =	stream.indirect.gather [hbm4b:s12+s14], $0x40, s0, s14, $0xb8;
	[tilespmem:$0x18600] =	vst v63  }
0x29: {  	s1 =	simm.s32 $0x180;
	s20 =	simm.s32 $0x6600  }
0x2a: {  	[tilespmem:s20], [sflag:$0x1] =	stream.indirect.gather [hbm4b:s12+s14], $0x40, s1, s14, $0xb8;
	[tilespmem:$0x18600] =	vst v63  }
0x2b: {  	_ = 	snop  }
0x2c: {  	[tilespmem:s5], [sflag:$0x1] =	stream.indirect.gather [hbm4b:s10+s14], $0x40, s16, s14, $0xb8;
	[tilespmem:$0x18600] =	vst v63  }
0x2d: {  	_ = 	snop  }
0x2e: {  	[tilespmem:s22], [sflag:$0x1] =	stream.indirect.gather [hbm4b:s10+s14], $0x40, s21, s14, $0xb8;
	[tilespmem:$0x18600] =	vst v63  }
0x2f: {  	_ = 	snop  }
0x30: {  	[tilespmem:s24], [sflag:$0x1] =	stream.indirect.gather [hbm4b:s10+s14], $0x40, s23, s14, $0xb8;
	[tilespmem:$0x18600] =	vst v63  }
0x31: {  	_ = 	snop  }
0x32: {  	[tilespmem:s26], [sflag:$0x1] =	stream.indirect.gather [hbm4b:s10+s14], $0x40, s25, s14, $0xb8;
	[tilespmem:$0x18600] =	vst v63  }
0x33: {  	_ = 	snop  }
0x34: {  	[tilespmem:s6], [sflag:$0x1] =	stream.indirect.gather [hbm4b:s7+s14], $0x40, s15, s14, $0xb8;
	[tilespmem:$0x18600] =	vst v63  }
0x35: {  	_ = 	snop  }
0x36: {  	[tilespmem:s29], [sflag:$0x1] =	stream.indirect.gather [hbm4b:s7+s14], $0x40, s28, s14, $0xb8;
	[tilespmem:$0x18600] =	vst v63  }
0x37: {  	_ = 	snop  }
0x38: {  	[tilespmem:s31], [sflag:$0x1] =	stream.indirect.gather [hbm4b:s7+s14], $0x40, s30, s14, $0xb8;
	[tilespmem:$0x18600] =	vst v63  }
0x39: {  	_ = 	snop  }
0x3a: {  	[tilespmem:s18], [sflag:$0x1] =	stream.indirect.gather [hbm4b:s7+s14], $0x40, s19, s14, $0xb8;
	[tilespmem:$0x18600] =	vst v63  }
0x3b: {  	_ =	swait.ge [sflag:s13], $0x2000  }
0x3c: {  	[sflag:s13] =	ssyncset.done $0x0  }
0x3d: {  	[sflag:s13] =	ssyncadd.s32 $0xFFFFE000  }
0x3e: {  	_ =	swait.ge [sflag:s13], $0x2000  }
0x3f: {  	[sflag:s13] =	ssyncset.done $0x0  }
0x40: {  	[sflag:s13] =	ssyncadd.s32 $0xFFFFE000  }
0x41: {  	_ =	swait.ge [sflag:s13], $0x2000  }
0x42: {  	[sflag:s13] =	ssyncset.done $0x0  }
0x43: {  	[sflag:s13] =	ssyncadd.s32 $0xFFFFE000  }
0x44: {  	_ =	swait.ge [sflag:s13], $0x2000  }
0x45: {  	[sflag:s13] =	ssyncset.done $0x0  }
0x46: {  	[sflag:s13] =	ssyncadd.s32 $0xFFFFE000  }
0x47: {  	_ =	swait.ge [sflag:s13], $0x2000  }
0x48: {  	[sflag:s13] =	ssyncset.done $0x0  }
0x49: {  	[sflag:s13] =	ssyncadd.s32 $0xFFFFE000  }
0x4a: {  	_ =	swait.ge [sflag:s13], $0x2000  }
0x4b: {  	[sflag:s13] =	ssyncset.done $0x0  }
0x4c: {  	[sflag:s13] =	ssyncadd.s32 $0xFFFFE000  }
0x4d: {  	_ =	swait.ge [sflag:s13], $0x2000  }
0x4e: {  	[sflag:s13] =	ssyncset.done $0x0  }
0x4f: {  	[sflag:s13] =	ssyncadd.s32 $0xFFFFE000  }
0x50: {  	_ =	swait.ge [sflag:s13], $0x2000  }
0x51: {  	[sflag:s13] =	ssyncset.done $0x0  }
0x52: {  	[sflag:s13] =	ssyncadd.s32 $0xFFFFE000  }
0x53: {  	_ =	swait.ge [sflag:s13], $0x2000  }
0x54: {  	[sflag:s13] =	ssyncset.done $0x0  }
0x55: {  	[sflag:s13] =	ssyncadd.s32 $0xFFFFE000  }
0x56: {  	_ =	swait.ge [sflag:s13], $0x2000  }
0x57: {  	[sflag:s13] =	ssyncset.done $0x0  }
0x58: {  	[sflag:s13] =	ssyncadd.s32 $0xFFFFE000  }
0x59: {  	_ =	swait.ge [sflag:s13], $0x2000  }
0x5a: {  	[sflag:s13] =	ssyncset.done $0x0  }
0x5b: {  	[sflag:s13] =	ssyncadd.s32 $0xFFFFE000  }
0x5c: {  	_ =	swait.ge [sflag:s13], $0x2000  }
0x5d: {  	[sflag:s13] =	ssyncset.done $0x0  }
0x5e: {  	[sflag:s13] =	ssyncadd.s32 $0xFFFFE000  }
0x5f: {  	[hbm4b:s3+s8] =	stream.strided.scatter [tilespmem:s4], [sflag:$0x2], $0x8000, s9, s8, $0x38;
	[tilespmem:$0x18600] =	vst v63  }
0x60: {  	_ =	swait.ge [sflag:s2], $0x8000  }
0x61: {  	[sflag:s2] =	ssyncset.done $0x0  }
0x62: {  	s18 =	rddreg [dreg:$0x6];
	[sflag:s2] =	ssyncadd.s32 $0xFFFF8000  }
0x63: {  	[hbm4b:s18+s8] =	stream.strided.scatter [tilespmem:s5], [sflag:$0x2], $0x8000, s9, s8, $0x38;
	[tilespmem:$0x18600] =	vst v63  }
0x64: {  	p1 =	sne.s32 s17, $0x1;
	_ =	swait.ge [sflag:s2], $0x8000  }
.Ltmp1:
0x65: {  	[sflag:s2] =	ssyncset.done $0x0;
	(pc) =	sbr.rel @!p1 .LBB2_3-.Ltmp1, $4  }
0x66: {  	s20 =	rddreg [dreg:$0x7];
	[sflag:s2] =	ssyncadd.s32 $0xFFFF8000  }
0x67: {  	[hbm4b:s20+s8] =	stream.strided.scatter [tilespmem:s6], [sflag:$0x2], $0x8000, s9, s8, $0x38;
	[tilespmem:$0x18600] =	vst v63  }
0x68: {  	p0 =	por $0x1, $0x1;
	s0 =	sadd.s32 $0xFFFFFFFF, s17;
	_ =	swait.ge [sflag:s2], $0x8000  }
0x69: {  	s20 =	simm.s32 $0x16600;
	s1 =	rddreg [dreg:$0x3];
	[sflag:s2] =	ssyncset.done $0x0  }
.LBB2_4:
0x6a: {  	[sflag:s2] =	ssyncadd.s32 $0xFFFF8000  }
0x6b: {  	[tilespmem:s11], [sflag:$0x2] =	stream.linear.gather [hbm4b:s1+s11], $0x200, $0x38;
	[tilespmem:$0x18600] =	vst v63  }
0x6c: {  	_ =	swait.ge [sflag:s2], $0x200  }
0x6d: {  	[sflag:s2] =	ssyncset.done $0x0  }
0x6e: {  	s17 =	rddreg [dreg:$0x4];
	[sflag:s2] =	ssyncadd.s32 $0xFFFFFE00  }
0x6f: {  	[tilespmem:s16], [sflag:$0x2] =	stream.linear.gather [hbm4b:s17+s11], $0x200, $0x38;
	[tilespmem:$0x18600] =	vst v63  }
0x70: {  	_ =	swait.ge [sflag:s2], $0x200  }
0x71: {  	[sflag:s2] =	ssyncset.done $0x0  }
0x72: {  	s18 =	rddreg [dreg:$0x5];
	[sflag:s2] =	ssyncadd.s32 $0xFFFFFE00  }
0x73: {  	[tilespmem:s15], [sflag:$0x2] =	stream.linear.gather [hbm4b:s18+s11], $0x200, $0x38;
	[tilespmem:$0x18600] =	vst v63  }
0x74: {  	_ =	swait.ge [sflag:s2], $0x200  }
0x75: {  	[sflag:s2] =	ssyncset.done $0x0  }
0x76: {  	s1 =	rddreg [dreg:$0xa];
	[sflag:s2] =	ssyncadd.s32 $0xFFFFFE00  }
0x77: {  	[tilespmem:s4], [sflag:$0x1] =	stream.indirect.gather [hbm4b:s12+s14], $0x40, s11, s14, $0xb8;
	[tilespmem:$0x18600] =	vst v63  }
0x78: {  	s17 =	rddreg [dreg:$0x8]  }
0x79: {  	[tilespmem:s17], [sflag:$0x1] =	stream.indirect.gather [hbm4b:s12+s14], $0x40, s14, s14, $0xb8;
	[tilespmem:$0x18600] =	vst v63  }
0x7a: {  	s18 =	rddreg [dreg:$0x9]  }
0x7b: {  	[tilespmem:s1], [sflag:$0x1] =	stream.indirect.gather [hbm4b:s12+s14], $0x40, s18, s14, $0xb8;
	[tilespmem:$0x18600] =	vst v63  }
0x7c: {  	s17 =	simm.s32 $0x180;
	s18 =	simm.s32 $0x6600  }
0x7d: {  	[tilespmem:s18], [sflag:$0x1] =	stream.indirect.gather [hbm4b:s12+s14], $0x40, s17, s14, $0xb8;
	[tilespmem:$0x18600] =	vst v63  }
0x7e: {  	_ = 	snop  }
0x7f: {  	[tilespmem:s5], [sflag:$0x1] =	stream.indirect.gather [hbm4b:s10+s14], $0x40, s16, s14, $0xb8;
	[tilespmem:$0x18600] =	vst v63  }
0x80: {  	_ = 	snop  }
0x81: {  	[tilespmem:s22], [sflag:$0x1] =	stream.indirect.gather [hbm4b:s10+s14], $0x40, s21, s14, $0xb8;
	[tilespmem:$0x18600] =	vst v63  }
0x82: {  	_ = 	snop  }
0x83: {  	[tilespmem:s24], [sflag:$0x1] =	stream.indirect.gather [hbm4b:s10+s14], $0x40, s23, s14, $0xb8;
	[tilespmem:$0x18600] =	vst v63  }
0x84: {  	_ = 	snop  }
0x85: {  	[tilespmem:s26], [sflag:$0x1] =	stream.indirect.gather [hbm4b:s10+s14], $0x40, s25, s14, $0xb8;
	[tilespmem:$0x18600] =	vst v63  }
0x86: {  	_ = 	snop  }
0x87: {  	[tilespmem:s6], [sflag:$0x1] =	stream.indirect.gather [hbm4b:s7+s14], $0x40, s15, s14, $0xb8;
	[tilespmem:$0x18600] =	vst v63  }
0x88: {  	_ = 	snop  }
0x89: {  	[tilespmem:s29], [sflag:$0x1] =	stream.indirect.gather [hbm4b:s7+s14], $0x40, s28, s14, $0xb8;
	[tilespmem:$0x18600] =	vst v63  }
0x8a: {  	_ = 	snop  }
0x8b: {  	[tilespmem:s31], [sflag:$0x1] =	stream.indirect.gather [hbm4b:s7+s14], $0x40, s30, s14, $0xb8;
	[tilespmem:$0x18600] =	vst v63  }
0x8c: {  	_ = 	snop  }
0x8d: {  	[tilespmem:s20], [sflag:$0x1] =	stream.indirect.gather [hbm4b:s7+s14], $0x40, s19, s14, $0xb8;
	[tilespmem:$0x18600] =	vst v63  }
0x8e: {  	_ =	swait.ge [sflag:s13], $0x2000  }
0x8f: {  	[sflag:s13] =	ssyncset.done $0x0  }
0x90: {  	[sflag:s13] =	ssyncadd.s32 $0xFFFFE000  }
0x91: {  	_ =	swait.ge [sflag:s13], $0x2000  }
0x92: {  	[sflag:s13] =	ssyncset.done $0x0  }
0x93: {  	[sflag:s13] =	ssyncadd.s32 $0xFFFFE000  }
0x94: {  	_ =	swait.ge [sflag:s13], $0x2000  }
0x95: {  	[sflag:s13] =	ssyncset.done $0x0  }
0x96: {  	[sflag:s13] =	ssyncadd.s32 $0xFFFFE000  }
0x97: {  	_ =	swait.ge [sflag:s13], $0x2000  }
0x98: {  	[sflag:s13] =	ssyncset.done $0x0  }
0x99: {  	[sflag:s13] =	ssyncadd.s32 $0xFFFFE000  }
0x9a: {  	_ =	swait.ge [sflag:s13], $0x2000  }
0x9b: {  	[sflag:s13] =	ssyncset.done $0x0  }
0x9c: {  	[sflag:s13] =	ssyncadd.s32 $0xFFFFE000  }
0x9d: {  	_ =	swait.ge [sflag:s13], $0x2000  }
0x9e: {  	[sflag:s13] =	ssyncset.done $0x0  }
0x9f: {  	[sflag:s13] =	ssyncadd.s32 $0xFFFFE000  }
0xa0: {  	_ =	swait.ge [sflag:s13], $0x2000  }
0xa1: {  	[sflag:s13] =	ssyncset.done $0x0  }
0xa2: {  	[sflag:s13] =	ssyncadd.s32 $0xFFFFE000  }
0xa3: {  	_ =	swait.ge [sflag:s13], $0x2000  }
0xa4: {  	[sflag:s13] =	ssyncset.done $0x0  }
0xa5: {  	[sflag:s13] =	ssyncadd.s32 $0xFFFFE000  }
0xa6: {  	_ =	swait.ge [sflag:s13], $0x2000  }
0xa7: {  	[sflag:s13] =	ssyncset.done $0x0  }
0xa8: {  	[sflag:s13] =	ssyncadd.s32 $0xFFFFE000  }
0xa9: {  	_ =	swait.ge [sflag:s13], $0x2000  }
0xaa: {  	[sflag:s13] =	ssyncset.done $0x0  }
0xab: {  	[sflag:s13] =	ssyncadd.s32 $0xFFFFE000  }
0xac: {  	_ =	swait.ge [sflag:s13], $0x2000  }
0xad: {  	[sflag:s13] =	ssyncset.done $0x0  }
0xae: {  	[sflag:s13] =	ssyncadd.s32 $0xFFFFE000  }
0xaf: {  	_ =	swait.ge [sflag:s13], $0x2000  }
0xb0: {  	[sflag:s13] =	ssyncset.done $0x0  }
0xb1: {  	[sflag:s13] =	ssyncadd.s32 $0xFFFFE000  }
0xb2: {  	[hbm4b:s3+s8] =	stream.strided.scatter [tilespmem:s4], [sflag:$0x2], $0x8000, s9, s8, $0x38;
	[tilespmem:$0x18600] =	vst v63  }
0xb3: {  	_ =	swait.ge [sflag:s2], $0x8000  }
0xb4: {  	[sflag:s2] =	ssyncset.done $0x0  }
0xb5: {  	s17 =	rddreg [dreg:$0x6];
	[sflag:s2] =	ssyncadd.s32 $0xFFFF8000  }
0xb6: {  	[hbm4b:s17+s8] =	stream.strided.scatter [tilespmem:s5], [sflag:$0x2], $0x8000, s9, s8, $0x38;
	[tilespmem:$0x18600] =	vst v63  }
0xb7: {  	p1 =	sne.s32 s0, $0x1;
	_ =	swait.ge [sflag:s2], $0x8000  }
.Ltmp2:
0xb8: {  	[sflag:s2] =	ssyncset.done $0x0;
	(pc) =	sbr.rel @p1 .LBB2_4-.Ltmp2, $4  }
0xb9: {  	s18 =	rddreg [dreg:$0x7];
	[sflag:s2] =	ssyncadd.s32 $0xFFFF8000  }
0xba: {  	[hbm4b:s18+s8] =	stream.strided.scatter [tilespmem:s6], [sflag:$0x2], $0x8000, s9, s8, $0x38;
	[tilespmem:$0x18600] =	vst v63  }
0xbb: {  	_ =	swait.ge [sflag:s2], $0x8000  }
0xbc: {  	s0 =	sadd.s32 $0xFFFFFFFF, s0;
	s1 =	rddreg [dreg:$0x3];
	[sflag:s2] =	ssyncset.done $0x0  }
0xbd: {  	s18 =	simm.s32 $0x580;
	s31 =	simm.s32 $0x14600  }
0xbe: {  	s30 =	simm.s32 $0x500;
	s29 =	simm.s32 $0x12600;
	s28 =	simm.s32 $0x480  }
0xbf: {  	s26 =	simm.s32 $0xE600;
	s25 =	simm.s32 $0x380;
	s24 =	simm.s32 $0xC600  }
0xc0: {  	s23 =	simm.s32 $0x300;
	s22 =	simm.s32 $0xA600;
	s21 =	simm.s32 $0x280  }
0xc1: {  	s20 =	simm.s32 $0x6600;
	s19 =	simm.s32 $0x180;
	s17 =	stileid.u32  }
.LBB2_6:
0xc2: {  	[sflag:s2] =	ssyncadd.s32 @p0 $0xFFFF8000  }
0xc3: {  	[tilespmem:s11], [sflag:$0x2] =	stream.linear.gather [hbm4b:s1+s11], $0x200, $0x38;
	[tilespmem:$0x18600] =	vst v63  }
0xc4: {  	_ =	swait.ge [sflag:s2], $0x200  }
0xc5: {  	[sflag:s2] =	ssyncset.done $0x0  }
0xc6: {  	s0 =	rddreg [dreg:$0x4];
	[sflag:s2] =	ssyncadd.s32 $0xFFFFFE00  }
0xc7: {  	[tilespmem:s16], [sflag:$0x2] =	stream.linear.gather [hbm4b:s0+s11], $0x200, $0x38;
	[tilespmem:$0x18600] =	vst v63  }
0xc8: {  	_ =	swait.ge [sflag:s2], $0x200  }
0xc9: {  	[sflag:s2] =	ssyncset.done $0x0  }
0xca: {  	s1 =	rddreg [dreg:$0x5];
	[sflag:s2] =	ssyncadd.s32 $0xFFFFFE00  }
0xcb: {  	[tilespmem:s15], [sflag:$0x2] =	stream.linear.gather [hbm4b:s1+s11], $0x200, $0x38;
	[tilespmem:$0x18600] =	vst v63  }
0xcc: {  	_ =	swait.ge [sflag:s2], $0x200  }
0xcd: {  	[sflag:s2] =	ssyncset.done $0x0  }
0xce: {  	s0 =	rddreg [dreg:$0x8];
	[sflag:s2] =	ssyncadd.s32 $0xFFFFFE00  }
0xcf: {  	[tilespmem:s4], [sflag:$0x1] =	stream.indirect.gather [hbm4b:s12+s14], $0x40, s11, s14, $0xb8;
	[tilespmem:$0x18600] =	vst v63  }
0xd0: {  	s1 =	rddreg [dreg:$0xa]  }
0xd1: {  	[tilespmem:s0], [sflag:$0x1] =	stream.indirect.gather [hbm4b:s12+s14], $0x40, s14, s14, $0xb8;
	[tilespmem:$0x18600] =	vst v63  }
0xd2: {  	s11 =	rddreg [dreg:$0x9]  }
0xd3: {  	[tilespmem:s1], [sflag:$0x1] =	stream.indirect.gather [hbm4b:s12+s14], $0x40, s11, s14, $0xb8;
	[tilespmem:$0x18600] =	vst v63  }
0xd4: {  	_ = 	snop  }
0xd5: {  	[tilespmem:s20], [sflag:$0x1] =	stream.indirect.gather [hbm4b:s12+s14], $0x40, s19, s14, $0xb8;
	[tilespmem:$0x18600] =	vst v63  }
0xd6: {  	_ = 	snop  }
0xd7: {  	[tilespmem:s5], [sflag:$0x1] =	stream.indirect.gather [hbm4b:s10+s14], $0x40, s16, s14, $0xb8;
	[tilespmem:$0x18600] =	vst v63  }
0xd8: {  	_ = 	snop  }
0xd9: {  	[tilespmem:s22], [sflag:$0x1] =	stream.indirect.gather [hbm4b:s10+s14], $0x40, s21, s14, $0xb8;
	[tilespmem:$0x18600] =	vst v63  }
0xda: {  	_ = 	snop  }
0xdb: {  	[tilespmem:s24], [sflag:$0x1] =	stream.indirect.gather [hbm4b:s10+s14], $0x40, s23, s14, $0xb8;
	[tilespmem:$0x18600] =	vst v63  }
0xdc: {  	_ = 	snop  }
0xdd: {  	[tilespmem:s26], [sflag:$0x1] =	stream.indirect.gather [hbm4b:s10+s14], $0x40, s25, s14, $0xb8;
	[tilespmem:$0x18600] =	vst v63  }
0xde: {  	_ = 	snop  }
0xdf: {  	[tilespmem:s6], [sflag:$0x1] =	stream.indirect.gather [hbm4b:s7+s14], $0x40, s15, s14, $0xb8;
	[tilespmem:$0x18600] =	vst v63  }
0xe0: {  	_ = 	snop  }
0xe1: {  	[tilespmem:s29], [sflag:$0x1] =	stream.indirect.gather [hbm4b:s7+s14], $0x40, s28, s14, $0xb8;
	[tilespmem:$0x18600] =	vst v63  }
0xe2: {  	_ = 	snop  }
0xe3: {  	[tilespmem:s31], [sflag:$0x1] =	stream.indirect.gather [hbm4b:s7+s14], $0x40, s30, s14, $0xb8;
	[tilespmem:$0x18600] =	vst v63  }
0xe4: {  	s29 =	simm.s32 $0x16600  }
0xe5: {  	[tilespmem:s29], [sflag:$0x1] =	stream.indirect.gather [hbm4b:s7+s14], $0x40, s18, s14, $0xb8;
	[tilespmem:$0x18600] =	vst v63  }
0xe6: {  	_ =	swait.ge [sflag:s13], $0x2000  }
0xe7: {  	[sflag:s13] =	ssyncset.done $0x0  }
0xe8: {  	[sflag:s13] =	ssyncadd.s32 $0xFFFFE000  }
0xe9: {  	_ =	swait.ge [sflag:s13], $0x2000  }
0xea: {  	[sflag:s13] =	ssyncset.done $0x0  }
0xeb: {  	[sflag:s13] =	ssyncadd.s32 $0xFFFFE000  }
0xec: {  	_ =	swait.ge [sflag:s13], $0x2000  }
0xed: {  	[sflag:s13] =	ssyncset.done $0x0  }
0xee: {  	[sflag:s13] =	ssyncadd.s32 $0xFFFFE000  }
0xef: {  	_ =	swait.ge [sflag:s13], $0x2000  }
0xf0: {  	[sflag:s13] =	ssyncset.done $0x0  }
0xf1: {  	[sflag:s13] =	ssyncadd.s32 $0xFFFFE000  }
0xf2: {  	_ =	swait.ge [sflag:s13], $0x2000  }
0xf3: {  	[sflag:s13] =	ssyncset.done $0x0  }
0xf4: {  	[sflag:s13] =	ssyncadd.s32 $0xFFFFE000  }
0xf5: {  	_ =	swait.ge [sflag:s13], $0x2000  }
0xf6: {  	[sflag:s13] =	ssyncset.done $0x0  }
0xf7: {  	[sflag:s13] =	ssyncadd.s32 $0xFFFFE000  }
0xf8: {  	_ =	swait.ge [sflag:s13], $0x2000  }
0xf9: {  	[sflag:s13] =	ssyncset.done $0x0  }
0xfa: {  	[sflag:s13] =	ssyncadd.s32 $0xFFFFE000  }
0xfb: {  	_ =	swait.ge [sflag:s13], $0x2000  }
0xfc: {  	[sflag:s13] =	ssyncset.done $0x0  }
0xfd: {  	[sflag:s13] =	ssyncadd.s32 $0xFFFFE000  }
0xfe: {  	_ =	swait.ge [sflag:s13], $0x2000  }
0xff: {  	[sflag:s13] =	ssyncset.done $0x0  }
0x100: {  	[sflag:s13] =	ssyncadd.s32 $0xFFFFE000  }
0x101: {  	_ =	swait.ge [sflag:s13], $0x2000  }
0x102: {  	[sflag:s13] =	ssyncset.done $0x0  }
0x103: {  	[sflag:s13] =	ssyncadd.s32 $0xFFFFE000  }
0x104: {  	_ =	swait.ge [sflag:s13], $0x2000  }
0x105: {  	[sflag:s13] =	ssyncset.done $0x0  }
0x106: {  	[sflag:s13] =	ssyncadd.s32 $0xFFFFE000  }
0x107: {  	_ =	swait.ge [sflag:s13], $0x2000  }
0x108: {  	[sflag:s13] =	ssyncset.done $0x0  }
0x109: {  	[sflag:s13] =	ssyncadd.s32 $0xFFFFE000  }
0x10a: {  	[hbm4b:s3+s8] =	stream.strided.scatter [tilespmem:s4], [sflag:$0x2], $0x8000, s9, s8, $0x38;
	[tilespmem:$0x18600] =	vst v63  }
0x10b: {  	_ =	swait.ge [sflag:s2], $0x8000  }
0x10c: {  	[sflag:s2] =	ssyncset.done $0x0  }
0x10d: {  	s30 =	rddreg [dreg:$0x6];
	[sflag:s2] =	ssyncadd.s32 $0xFFFF8000  }
0x10e: {  	[hbm4b:s30+s8] =	stream.strided.scatter [tilespmem:s5], [sflag:$0x2], $0x8000, s9, s8, $0x38;
	[tilespmem:$0x18600] =	vst v63  }
0x10f: {  	_ =	swait.ge [sflag:s2], $0x8000  }
0x110: {  	[sflag:s2] =	ssyncset.done $0x0  }
0x111: {  	s31 =	rddreg [dreg:$0x7];
	[sflag:s2] =	ssyncadd.s32 $0xFFFF8000  }
0x112: {  	[hbm4b:s31+s8] =	stream.strided.scatter [tilespmem:s6], [sflag:$0x2], $0x8000, s9, s8, $0x38;
	[tilespmem:$0x18600] =	vst v63  }
0x113: {  	_ =	swait.ge [sflag:s2], $0x8000  }
0x114: {  	[sflag:s2] =	ssyncset.done $0x0  }
0x115: {  	[sflag:s2] =	ssyncadd.s32 $0xFFFF8000  }
0x116: {  	_ =	sfence.sel $0x180000  }
0x117: {  	[bflag:$0x0] =	sbarrier.arrive $0xFFFF  }
0x118: {  	_ =	strace $0x90000047  }
0x119: {  	[bflag:$0x2] =	sbarrier.arrive $0xFFFF  }
0x11a: {  	p0 =	sne.s32 s17, $0x0;
	s0 =	rddreg [dreg:$0x2]  }
0x11b: {  	s0 =	sadd.s32 @!p0 $0x100000, s0  }
0x11c: {  	[sflag:s0] =	ssyncadd.tile.s32 @!p0 $0x1;
	_ =	shalt  }
.LBB2_1:
.Ltmp3:
0x11d: {  	s18 =	simm.s32 $0x580;
	(pc) =	sbr.rel .LBB2_6-.Ltmp3, $4  }
0x11e: {  	s31 =	simm.s32 $0x14600;
	s30 =	simm.s32 $0x500;
	s29 =	simm.s32 $0x12600  }
0x11f: {  	s28 =	simm.s32 $0x480;
	s26 =	simm.s32 $0xE600;
	s25 =	simm.s32 $0x380  }
0x120: {  	s24 =	simm.s32 $0xC600;
	s23 =	simm.s32 $0x300;
	s22 =	simm.s32 $0xA600  }
0x121: {  	s21 =	simm.s32 $0x280;
	s20 =	simm.s32 $0x6600;
	s19 =	simm.s32 $0x180  }
.LBB2_3:
.Ltmp4:
0x122: {  	s18 =	simm.s32 $0x580;
	s31 =	simm.s32 $0x14600;
	(pc) =	sbr.rel .LBB2_6-.Ltmp4, $4  }
0x123: {  	s30 =	simm.s32 $0x500;
	s29 =	simm.s32 $0x12600;
	s28 =	simm.s32 $0x480  }
0x124: {  	s26 =	simm.s32 $0xE600;
	s25 =	simm.s32 $0x380;
	s24 =	simm.s32 $0xC600  }
0x125: {  	s23 =	simm.s32 $0x300;
	s22 =	simm.s32 $0xA600;
	s21 =	simm.s32 $0x280  }
0x126: {  	s20 =	simm.s32 $0x6600;
	s19 =	simm.s32 $0x180;
	s17 =	stileid.u32  }
.Lfunc_end2:
_tile_overlayer_lowered:
.L_overlay_start_2:
0x127: {  	(tag) =	ssettag $0x2  }
0x128: {  	s0 =	rddreg [dreg:$0x0];
	s2 =	stileid.u32  }
0x129: {  	s1 =	rddreg [dreg:$0x1];
	p0 =	sne.s32 s2, $0x0  }
0x12a: {  	s3 =	rddreg [dreg:$0x2];
	[bflag:$0x3] =	sbarrier.arrive $0xFFFF;
	s2 =	simm.s32 @!p0 $0x1C02  }
0x12b: {  	[timem:s3], [sflag:s2] =	dma.local @!p0 [hbm:s0], s1  }
0x12c: {  	s0 =	simm.s32 @!p0 $0x2  }
0x12d: {  	_ =	swait.ge @!p0 [sflag:s0], s1  }
0x12e: {  	s1 =	ssub.s32 @!p0 $0x0, s1;
	[sflag:s0] =	ssyncset.done @!p0 $0x0  }
0x12f: {  	[sflag:s0] =	ssyncadd.s32 @!p0 s1  }
0x130: {  	[bflag:$0x3] =	sbarrier.arrive $0xFFFF  }
0x131: {  	_ =	shalt  }

</sc_bundles>
